<compile_context>
chip_gen: v7x
topology: tpu7x:2x2x1
jax: 0.10.2.dev20260603
libtpu: 0.0.44.dev20260713+nightly
codegen_flags: <defaults>
</compile_context>

<pallas_src>
import functools

import jax
import jax.numpy as jnp
from jax import lax
from jax.experimental import pallas as pl
from jax.experimental.pallas import tpu as pltpu
from jax.experimental.pallas import tpu_sc as plsc

N = 10000
E = 320000
D = 128
VOCAB = 120
G = 64

NC = 2
NS = 16
NW = NC * NS
EPW = E // NW
CH = 100
STEPS = EPW // CH
ACC_N = N
RPS = 624
RPS_LAST = N - RPS * (NS - 1)
RPS_LAST_Z = ACC_N - RPS * (NS - 1)

ECH = 80
ESTEPS = EPW // ECH

R = 1000
BN = N // R

def _mesh():
    return plsc.VectorSubcoreMesh(core_axis_name="c", subcore_axis_name="s")


def _zero_acc(zeros_h, acc, s):
    @pl.when(s < NS - 1)
    def _():
        pltpu.sync_copy(zeros_h.at[pl.ds(0, RPS)],
                        acc.at[pl.ds(s * RPS, RPS)])

    @pl.when(s == NS - 1)
    def _():
        pltpu.sync_copy(zeros_h, acc.at[pl.ds((NS - 1) * RPS, RPS_LAST_Z)])


def _dump_acc(acc, out0, out1, c, s):
    @pl.when(jnp.logical_and(c == 0, s < NS - 1))
    def _():
        pltpu.sync_copy(acc.at[pl.ds(s * RPS, RPS)],
                        out0.at[pl.ds(s * RPS, RPS)])

    @pl.when(jnp.logical_and(c == 0, s == NS - 1))
    def _():
        pltpu.sync_copy(acc.at[pl.ds((NS - 1) * RPS, RPS_LAST)],
                        out0.at[pl.ds((NS - 1) * RPS, RPS_LAST)])

    @pl.when(jnp.logical_and(c == 1, s < NS - 1))
    def _():
        pltpu.sync_copy(acc.at[pl.ds(s * RPS, RPS)],
                        out1.at[pl.ds(s * RPS, RPS)])

    @pl.when(jnp.logical_and(c == 1, s == NS - 1))
    def _():
        pltpu.sync_copy(acc.at[pl.ds((NS - 1) * RPS, RPS_LAST)],
                        out1.at[pl.ds((NS - 1) * RPS, RPS_LAST)])


def _sc_degree(dst3f, ones16, zeros16):

    @functools.partial(
        pl.kernel,
        mesh=_mesh(),
        out_type=[jax.ShapeDtypeStruct((N, 16), jnp.float32),
                  jax.ShapeDtypeStruct((N, 16), jnp.float32)],
        scratch_types=[
            pltpu.VMEM((STEPS, CH), jnp.int32),
            pltpu.VMEM((CH, 16), jnp.float32),
            pltpu.VMEM_SHARED((ACC_N, 16), jnp.float32),
        ],
    )
    def k(dst_h, ones_h, zeros_h, out0, out1, didx, ones_v, acc):
        c = lax.axis_index("c")
        s = lax.axis_index("s")
        wid = c * NS + s
        _zero_acc(zeros_h, acc, s)
        pltpu.sync_copy(ones_h, ones_v)
        pltpu.sync_copy(dst_h.at[wid], didx)
        plsc.subcore_barrier()

        def body(j, carry):
            pltpu.sync_copy(ones_v, acc.at[didx.at[j]], add=True)
            return carry

        lax.fori_loop(0, STEPS, body, 0)
        plsc.subcore_barrier()
        _dump_acc(acc, out0, out1, c, s)

    return k(dst3f, ones16, zeros16)


def _sc_edge_sum(table, src3, dst3, zeros_d):

    @functools.partial(
        pl.kernel,
        mesh=_mesh(),
        out_type=[jax.ShapeDtypeStruct((N, D), jnp.float32),
                  jax.ShapeDtypeStruct((N, D), jnp.float32)],
        scratch_types=[
            pltpu.VMEM((ECH,), jnp.int32),
            pltpu.VMEM((ECH,), jnp.int32),
            pltpu.VMEM((ECH, D), jnp.float32),
            pltpu.VMEM_SHARED((ACC_N, D), jnp.float32),
        ],
    )
    def k(table_h, src_h, dst_h, zeros_h, out0, out1,
          sidx1, didx1, rows, acc):
        c = lax.axis_index("c")
        s = lax.axis_index("s")
        wid = c * NS + s
        base = wid * EPW
        _zero_acc(zeros_h, acc, s)
        plsc.subcore_barrier()

        def body(j, carry):
            pltpu.sync_copy(src_h.at[pl.ds(base + j * ECH, ECH)], sidx1)
            pltpu.sync_copy(dst_h.at[pl.ds(base + j * ECH, ECH)], didx1)
            pltpu.sync_copy(table_h.at[sidx1], rows)
            pltpu.sync_copy(rows, acc.at[didx1], add=True)
            return carry

        lax.fori_loop(0, ESTEPS, body, 0)
        plsc.subcore_barrier()
        _dump_acc(acc, out0, out1, c, s)

    return k(table, src3, dst3, zeros_d)


def _dense_stage1(atoms3, deg0, deg1, embed_p, W1):

    def body(at_ref, d0_ref, d1_ref, emb_ref, w_ref, x0_ref, h_ref, dv_ref):
        at = at_ref[0, 0, :].reshape(R, 1)
        oh = (at == lax.broadcasted_iota(jnp.int32, (R, 128), 1)
              ).astype(jnp.float32)
        x0 = jnp.dot(oh, emb_ref[...], preferred_element_type=jnp.float32)
        deg = d0_ref[:, 0:1] + d1_ref[:, 0:1] + 1.0
        dinv = lax.rsqrt(deg)
        h = jnp.dot(x0, w_ref[...], preferred_element_type=jnp.float32) * dinv
        x0_ref[...] = x0
        h_ref[...] = h
        dv_ref[...] = dinv

    return pl.pallas_call(
        body,
        grid=(BN,),
        in_specs=[
            pl.BlockSpec((1, 1, R), lambda b: (b, 0, 0)),
            pl.BlockSpec((R, 16), lambda b: (b, 0)),
            pl.BlockSpec((R, 16), lambda b: (b, 0)),
            pl.BlockSpec((128, 128), lambda b: (0, 0)),
            pl.BlockSpec((128, 128), lambda b: (0, 0)),
        ],
        out_specs=[
            pl.BlockSpec((R, D), lambda b: (b, 0)),
            pl.BlockSpec((R, D), lambda b: (b, 0)),
            pl.BlockSpec((R, 1), lambda b: (b, 0)),
        ],
        out_shape=[
            jax.ShapeDtypeStruct((N, D), jnp.float32),
            jax.ShapeDtypeStruct((N, D), jnp.float32),
            jax.ShapeDtypeStruct((N, 1), jnp.float32),
        ],
    )(atoms3, deg0, deg1, embed_p, W1)


def _dense_conv(x, hp, s0, s1, dinv, bias, Wn):

    def body(x_ref, hp_ref, s0_ref, s1_ref, dv_ref, b_ref, w_ref,
             xn_ref, hn_ref):
        dv = dv_ref[...]
        conv = dv * (s0_ref[...] + s1_ref[...] + hp_ref[...]) + b_ref[...]
        xn = jnp.maximum(x_ref[...] + conv, 0.0)
        hn = jnp.dot(xn, w_ref[...], preferred_element_type=jnp.float32) * dv
        xn_ref[...] = xn
        hn_ref[...] = hn

    return pl.pallas_call(
        body,
        grid=(BN,),
        in_specs=[
            pl.BlockSpec((R, D), lambda b: (b, 0)),
            pl.BlockSpec((R, D), lambda b: (b, 0)),
            pl.BlockSpec((R, D), lambda b: (b, 0)),
            pl.BlockSpec((R, D), lambda b: (b, 0)),
            pl.BlockSpec((R, 1), lambda b: (b, 0)),
            pl.BlockSpec((1, D), lambda b: (0, 0)),
            pl.BlockSpec((128, 128), lambda b: (0, 0)),
        ],
        out_specs=[
            pl.BlockSpec((R, D), lambda b: (b, 0)),
            pl.BlockSpec((R, D), lambda b: (b, 0)),
        ],
        out_shape=[
            jax.ShapeDtypeStruct((N, D), jnp.float32),
            jax.ShapeDtypeStruct((N, D), jnp.float32),
        ],
    )(x, hp, s0, s1, dinv, bias, Wn)


def _dense_final(x, hp, s0, s1, dinv, bias, batch3, fcW, fcb2):

    def body(x_ref, hp_ref, s0_ref, s1_ref, dv_ref, b_ref, bt_ref,
             fw_ref, fb_ref, out_ref, S_ref, C_ref):
        i = pl.program_id(0)
        dv = dv_ref[...]
        conv = dv * (s0_ref[...] + s1_ref[...] + hp_ref[...]) + b_ref[...]
        xn = jnp.maximum(x_ref[...] + conv, 0.0)
        bt = bt_ref[0, 0, :].reshape(R, 1)
        oh = (bt == lax.broadcasted_iota(jnp.int32, (R, G), 1)
              ).astype(jnp.float32)
        contrib = lax.dot_general(oh, xn, (((0,), (0,)), ((), ())),
                                  preferred_element_type=jnp.float32)
        cnt = lax.dot_general(oh, jnp.ones((R, D), jnp.float32),
                              (((0,), (0,)), ((), ())),
                              preferred_element_type=jnp.float32)

        @pl.when(i == 0)
        def _():
            S_ref[...] = jnp.zeros((G, D), jnp.float32)
            C_ref[...] = jnp.zeros((G, D), jnp.float32)

        S_ref[...] += contrib
        C_ref[...] += cnt

        @pl.when(i == BN - 1)
        def _():
            pooled = S_ref[...] / jnp.maximum(C_ref[...], 1.0)
            out_ref[...] = (jnp.dot(pooled, fw_ref[...],
                                    preferred_element_type=jnp.float32)
                            + fb_ref[...])

    return pl.pallas_call(
        body,
        grid=(BN,),
        in_specs=[
            pl.BlockSpec((R, D), lambda b: (b, 0)),
            pl.BlockSpec((R, D), lambda b: (b, 0)),
            pl.BlockSpec((R, D), lambda b: (b, 0)),
            pl.BlockSpec((R, D), lambda b: (b, 0)),
            pl.BlockSpec((R, 1), lambda b: (b, 0)),
            pl.BlockSpec((1, D), lambda b: (0, 0)),
            pl.BlockSpec((1, 1, R), lambda b: (b, 0, 0)),
            pl.BlockSpec((D, 1), lambda b: (0, 0)),
            pl.BlockSpec((1, 1), lambda b: (0, 0)),
        ],
        out_specs=pl.BlockSpec((G, 1), lambda b: (0, 0)),
        out_shape=jax.ShapeDtypeStruct((G, 1), jnp.float32),
        scratch_shapes=[
            pltpu.VMEM((G, D), jnp.float32),
            pltpu.VMEM((G, D), jnp.float32),
        ],
    )(x, hp, s0, s1, dinv, bias, batch3, fcW, fcb2)


def kernel(atoms, edge_index, batch, embed, W1, b1, W2, b2, W3, b3, fcW, fcb):
    src3 = edge_index[0].astype(jnp.int32)
    dst3 = edge_index[1].astype(jnp.int32)
    dstd = edge_index[1].astype(jnp.int32).reshape(NW, STEPS, CH)
    atoms3 = atoms.astype(jnp.int32).reshape(BN, 1, R)
    batch3 = batch.astype(jnp.int32).reshape(BN, 1, R)
    embed_p = jnp.pad(embed, ((0, 128 - VOCAB), (0, 0)))
    ones16 = jnp.ones((CH, 16), jnp.float32)
    zeros16 = jnp.zeros((RPS_LAST_Z, 16), jnp.float32)
    zeros_d = jnp.zeros((RPS_LAST_Z, D), jnp.float32)
    b1r = b1.reshape(1, D)
    b2r = b2.reshape(1, D)
    b3r = b3.reshape(1, D)
    fcb2 = fcb.reshape(1, 1)

    deg0, deg1 = _sc_degree(dstd, ones16, zeros16)
    x0, h1p, dinv = _dense_stage1(atoms3, deg0, deg1, embed_p, W1)
    s10, s11 = _sc_edge_sum(h1p, src3, dst3, zeros_d)
    x1, h2p = _dense_conv(x0, h1p, s10, s11, dinv, b1r, W2)
    s20, s21 = _sc_edge_sum(h2p, src3, dst3, zeros_d)
    x2, h3p = _dense_conv(x1, h2p, s20, s21, dinv, b2r, W3)
    s30, s31 = _sc_edge_sum(h3p, src3, dst3, zeros_d)
    return _dense_final(x2, h3p, s30, s31, dinv, b3r, batch3, fcW, fcb2)

# --- scband reference (transcript-rebuilt; emitter-appended) ---
"""Pipeline reference for scband-graph-net-23871428231325 (READ-ONLY COPY).

The authoritative reference and input builder live on the scoring server;
editing this copy changes nothing except your own understanding.
"""

import jax, jax.numpy as jnp
import numpy as np

N = 10000      # nodes
E = 320000     # edges
D = 128        # hidden_dim
VOCAB = 120    # len(ATOMS_INDICES) + 1
G = 64         # graphs in the batch (global_mean_pool segments)


def setup_inputs(seed: int = 0) -> dict:
    key = jax.random.key(seed)
    ks = jax.random.split(key, 16)
    atoms = jax.random.randint(ks[0], (N,), 0, VOCAB)
    edge_index = jax.random.randint(ks[1], (2, E), 0, N)
    batch = jnp.sort(jax.random.randint(ks[2], (N,), 0, G))
    s = 1.0 / np.sqrt(D)
    embed = jax.random.normal(ks[3], (VOCAB, D), dtype=jnp.float32) * 0.1
    W1 = jax.random.normal(ks[4], (D, D), dtype=jnp.float32) * s
    b1 = jnp.zeros((D,), dtype=jnp.float32)
    W2 = jax.random.normal(ks[5], (D, D), dtype=jnp.float32) * s
    b2 = jnp.zeros((D,), dtype=jnp.float32)
    W3 = jax.random.normal(ks[6], (D, D), dtype=jnp.float32) * s
    b3 = jnp.zeros((D,), dtype=jnp.float32)
    fcW = jax.random.normal(ks[7], (D, 1), dtype=jnp.float32) * s
    fcb = jnp.zeros((1,), dtype=jnp.float32)
    return {"atoms": atoms, "edge_index": edge_index, "batch": batch,
            "embed": embed, "W1": W1, "b1": b1, "W2": W2, "b2": b2,
            "W3": W3, "b3": b3, "fcW": fcW, "fcb": fcb}


def _gcn_conv(x, src, dst, W, b):
    # GCNConv with self-loops and symmetric degree normalization.
    n = x.shape[0]
    loop = jnp.arange(n, dtype=src.dtype)
    src2 = jnp.concatenate([src, loop])
    dst2 = jnp.concatenate([dst, loop])
    deg = jnp.zeros((n,), dtype=x.dtype).at[dst2].add(1.0)
    dinv = jax.lax.rsqrt(jnp.maximum(deg, 1.0))
    h = x @ W
    norm = (dinv[src2] * dinv[dst2])[:, None]
    msg = h[src2] * norm
    out = jnp.zeros_like(h).at[dst2].add(msg)
    return out + b


def reference(atoms, edge_index, batch, embed, W1, b1, W2, b2, W3, b3, fcW, fcb):
    src, dst = edge_index[0], edge_index[1]
    x = embed[atoms]                       # embedding lookup
    for (W, b) in ((W1, b1), (W2, b2), (W3, b3)):
        x = jax.nn.relu(x + _gcn_conv(x, src, dst, W, b))
    # global_mean_pool over graph ids
    sums = jnp.zeros((G, x.shape[1]), dtype=x.dtype).at[batch].add(x)
    counts = jnp.zeros((G,), dtype=x.dtype).at[batch].add(1.0)
    pooled = sums / jnp.maximum(counts, 1.0)[:, None]
    # dropout is identity in eval mode
    out = pooled @ fcW + fcb
    return out

if __name__ == "__main__":
    import jax
    _d = setup_inputs()
    print(jax.jit(kernel)(*tuple(_d.values())))

</pallas_src>

<mosaic_0001>
#map = affine_map<(d0, d1) -> (0, 0)>
#map1 = affine_map<(d0, d1) -> (0)>
module attributes {stable_mosaic.version = 14 : i64} {
  func.func @k(%arg0: i32, %arg1: i32, %arg2: memref<10000x128xf32, #tpu.memory_space<hbm>>, %arg3: memref<320000xi32, #tpu.memory_space<hbm>>, %arg4: memref<320000xi32, #tpu.memory_space<hbm>>, %arg5: memref<640x128xf32, #tpu.memory_space<hbm>>, %arg6: memref<10000x128xf32, #tpu.memory_space<hbm>>, %arg7: memref<10000x128xf32, #tpu.memory_space<hbm>>, %arg8: memref<80xi32, #tpu.memory_space<vmem>>, %arg9: memref<80xi32, #tpu.memory_space<vmem>>, %arg10: memref<80x128xf32, #tpu.memory_space<vmem>>, %arg11: memref<10000x128xf32, #tpu.memory_space<vmem_shared>>) attributes {dimension_semantics = [#tpu.dimension_semantics<core_parallel>, #tpu.dimension_semantics<subcore_parallel>], iteration_bounds = array<i64: 2, 16>, scalar_prefetch = 0 : i64, scratch_operands = 4 : i64, tpu.core_type = #tpu.core_type<sc_vector_subcore>, window_params = [{transform_indices = #map}, {transform_indices = #map1}, {transform_indices = #map1}, {transform_indices = #map}, {transform_indices = #map}, {transform_indices = #map}]} {
    %mul3A = arith.constant 16 : i32
    %mul3A_0 = arith.muli %arg0, %mul3A : i32
    %add3A = arith.addi %mul3A_0, %arg1 : i32
    %mul3A_1 = arith.constant 10000 : i32
    %mul3A_2 = arith.muli %add3A, %mul3A_1 : i32
    %lt3A = arith.constant 15 : i32
    %lt3A_3 = arith.cmpi slt, %arg1, %lt3A : i32
    %convert_element_type3A = arith.extui %lt3A_3 : i1 to i32
    %cond3A = arith.constant 0 : i32
    %cond3A_4 = arith.cmpi ne, %convert_element_type3A, %cond3A : i32
    scf.if %cond3A_4 {
      %mul3A_46 = arith.constant 624 : i32
      %mul3A_47 = arith.muli %arg1, %mul3A_46 : i32
      "tpu.region"() ({
        %run_scoped3A = tpu.sem_alloc : memref<!tpu.dma_semaphore, #tpu.memory_space<semaphore_mem>>
        %dma_start3A = arith.constant 0 : i32
        %dma_start3A_48 = tpu.memref_slice %arg11[%mul3A_47, %dma_start3A] : memref<10000x128xf32, #tpu.memory_space<vmem_shared>> -> memref<624x128xf32, #tpu.memory_space<vmem_shared>>
        %dma_start3A_49 = arith.constant 0 : i32
        %dma_start3A_50 = arith.constant 0 : i32
        %dma_start3A_51 = tpu.memref_slice %arg5[%dma_start3A_49, %dma_start3A_50] : memref<640x128xf32, #tpu.memory_space<hbm>> -> memref<624x128xf32, #tpu.memory_space<hbm>>
        tpu.enqueue_dma source(%dma_start3A_51 : memref<624x128xf32, #tpu.memory_space<hbm>>) target(%dma_start3A_48 : memref<624x128xf32, #tpu.memory_space<vmem_shared>>) target_semaphore(%run_scoped3A : memref<!tpu.dma_semaphore, #tpu.memory_space<semaphore_mem>>)
        %dma_wait3A = arith.constant 0 : i32
        %dma_wait3A_52 = tpu.memref_slice %arg11[%mul3A_47, %dma_wait3A] : memref<10000x128xf32, #tpu.memory_space<vmem_shared>> -> memref<624x128xf32, #tpu.memory_space<vmem_shared>>
        %dma_wait3A_53 = arith.constant 0 : i32
        %dma_wait3A_54 = arith.constant 0 : i32
        %dma_wait3A_55 = tpu.memref_slice %arg5[%dma_wait3A_53, %dma_wait3A_54] : memref<640x128xf32, #tpu.memory_space<hbm>> -> memref<624x128xf32, #tpu.memory_space<hbm>>
        tpu.wait_dma2 semaphore(%run_scoped3A : memref<!tpu.dma_semaphore, #tpu.memory_space<semaphore_mem>>) src(%dma_wait3A_55 : memref<624x128xf32, #tpu.memory_space<hbm>>) dst(%dma_wait3A_52 : memref<624x128xf32, #tpu.memory_space<vmem_shared>>)
        tpu.yield
      }) : () -> ()
    } else {
    }
    %eq3A = arith.constant 15 : i32
    %eq3A_5 = arith.cmpi eq, %arg1, %eq3A : i32
    %convert_element_type3A_6 = arith.extui %eq3A_5 : i1 to i32
    %cond3A_7 = arith.constant 0 : i32
    %cond3A_8 = arith.cmpi ne, %convert_element_type3A_6, %cond3A_7 : i32
    scf.if %cond3A_8 {
      "tpu.region"() ({
        %run_scoped3A = tpu.sem_alloc : memref<!tpu.dma_semaphore, #tpu.memory_space<semaphore_mem>>
        %dma_start3A = arith.constant 9360 : i32
        %dma_start3A_46 = arith.constant 0 : i32
        %dma_start3A_47 = tpu.memref_slice %arg11[%dma_start3A, %dma_start3A_46] : memref<10000x128xf32, #tpu.memory_space<vmem_shared>> -> memref<640x128xf32, #tpu.memory_space<vmem_shared>>
        tpu.enqueue_dma source(%arg5 : memref<640x128xf32, #tpu.memory_space<hbm>>) target(%dma_start3A_47 : memref<640x128xf32, #tpu.memory_space<vmem_shared>>) target_semaphore(%run_scoped3A : memref<!tpu.dma_semaphore, #tpu.memory_space<semaphore_mem>>)
        %dma_wait3A = arith.constant 9360 : i32
        %dma_wait3A_48 = arith.constant 0 : i32
        %dma_wait3A_49 = tpu.memref_slice %arg11[%dma_wait3A, %dma_wait3A_48] : memref<10000x128xf32, #tpu.memory_space<vmem_shared>> -> memref<640x128xf32, #tpu.memory_space<vmem_shared>>
        tpu.wait_dma2 semaphore(%run_scoped3A : memref<!tpu.dma_semaphore, #tpu.memory_space<semaphore_mem>>) src(%arg5 : memref<640x128xf32, #tpu.memory_space<hbm>>) dst(%dma_wait3A_49 : memref<640x128xf32, #tpu.memory_space<vmem_shared>>)
        tpu.yield
      }) : () -> ()
    } else {
    }
    %barrier3A = arith.constant 0 : index
    tpu.barrier barrier_id(%barrier3A)
    %scan3A = arith.constant 0 : i32
    %scan3A_9 = arith.constant 0 : i32
    %scan3A_10 = arith.constant 125 : i32
    %scan3A_11 = arith.addi %scan3A_9, %scan3A_10 : i32
    %scan3A_12 = arith.constant 1 : i32
    scf.for %scan3A_46 = %scan3A_9 to %scan3A_11 step %scan3A_12  : i32 {
      %mul3A_47 = arith.constant 80 : i32
      %mul3A_48 = arith.muli %scan3A_46, %mul3A_47 : i32
      %add3A_49 = arith.addi %mul3A_2, %mul3A_48 : i32
      "tpu.region"() ({
        %run_scoped3A = tpu.sem_alloc : memref<!tpu.dma_semaphore, #tpu.memory_space<semaphore_mem>>
        %dma_start3A = tpu.memref_slice %arg3[%add3A_49] : memref<320000xi32, #tpu.memory_space<hbm>> -> memref<80xi32, #tpu.memory_space<hbm>>
        %dma_start3A_53 = tpu.memref_slice %arg3[%add3A_49] : memref<320000xi32, #tpu.memory_space<hbm>> -> memref<80xi32, #tpu.memory_space<hbm>>
        tpu.enqueue_dma source(%dma_start3A_53 : memref<80xi32, #tpu.memory_space<hbm>>) target(%arg8 : memref<80xi32, #tpu.memory_space<vmem>>) target_semaphore(%run_scoped3A : memref<!tpu.dma_semaphore, #tpu.memory_space<semaphore_mem>>)
        %dma_wait3A = tpu.memref_slice %arg3[%add3A_49] : memref<320000xi32, #tpu.memory_space<hbm>> -> memref<80xi32, #tpu.memory_space<hbm>>
        %dma_wait3A_54 = tpu.memref_slice %arg3[%add3A_49] : memref<320000xi32, #tpu.memory_space<hbm>> -> memref<80xi32, #tpu.memory_space<hbm>>
        tpu.wait_dma2 semaphore(%run_scoped3A : memref<!tpu.dma_semaphore, #tpu.memory_space<semaphore_mem>>) src(%dma_wait3A_54 : memref<80xi32, #tpu.memory_space<hbm>>) dst(%arg8 : memref<80xi32, #tpu.memory_space<vmem>>)
        tpu.yield
      }) : () -> ()
      %mul3A_50 = arith.constant 80 : i32
      %mul3A_51 = arith.muli %scan3A_46, %mul3A_50 : i32
      %add3A_52 = arith.addi %mul3A_2, %mul3A_51 : i32
      "tpu.region"() ({
        %run_scoped3A = tpu.sem_alloc : memref<!tpu.dma_semaphore, #tpu.memory_space<semaphore_mem>>
        %dma_start3A = tpu.memref_slice %arg4[%add3A_52] : memref<320000xi32, #tpu.memory_space<hbm>> -> memref<80xi32, #tpu.memory_space<hbm>>
        %dma_start3A_53 = tpu.memref_slice %arg4[%add3A_52] : memref<320000xi32, #tpu.memory_space<hbm>> -> memref<80xi32, #tpu.memory_space<hbm>>
        tpu.enqueue_dma source(%dma_start3A_53 : memref<80xi32, #tpu.memory_space<hbm>>) target(%arg9 : memref<80xi32, #tpu.memory_space<vmem>>) target_semaphore(%run_scoped3A : memref<!tpu.dma_semaphore, #tpu.memory_space<semaphore_mem>>)
        %dma_wait3A = tpu.memref_slice %arg4[%add3A_52] : memref<320000xi32, #tpu.memory_space<hbm>> -> memref<80xi32, #tpu.memory_space<hbm>>
        %dma_wait3A_54 = tpu.memref_slice %arg4[%add3A_52] : memref<320000xi32, #tpu.memory_space<hbm>> -> memref<80xi32, #tpu.memory_space<hbm>>
        tpu.wait_dma2 semaphore(%run_scoped3A : memref<!tpu.dma_semaphore, #tpu.memory_space<semaphore_mem>>) src(%dma_wait3A_54 : memref<80xi32, #tpu.memory_space<hbm>>) dst(%arg9 : memref<80xi32, #tpu.memory_space<vmem>>)
        tpu.yield
      }) : () -> ()
      "tpu.region"() ({
        %run_scoped3A = tpu.sem_alloc : memref<!tpu.dma_semaphore, #tpu.memory_space<semaphore_mem>>
        %dma_start3A = arith.constant 0 : i32
        %dma_start3A_53 = arith.constant 0 : i32
        %dma_start3A_54 = tpu.memref_slice %arg2[%dma_start3A, %dma_start3A_53] : memref<10000x128xf32, #tpu.memory_space<hbm>> -> memref<10000x128xf32, #tpu.memory_space<hbm>>
        tpu.enqueue_indirect_dma source(%dma_start3A_54 : memref<10000x128xf32, #tpu.memory_space<hbm>>) target(%arg10 : memref<80x128xf32, #tpu.memory_space<vmem>>) offsets(%arg8 : memref<80xi32, #tpu.memory_space<vmem>>) semaphore(%run_scoped3A : memref<!tpu.dma_semaphore, #tpu.memory_space<semaphore_mem>>)
        %dma_wait3A = arith.constant 0 : i32
        %dma_wait3A_55 = arith.constant 0 : i32
        %dma_wait3A_56 = tpu.memref_slice %arg2[%dma_wait3A, %dma_wait3A_55] : memref<10000x128xf32, #tpu.memory_space<hbm>> -> memref<10000x128xf32, #tpu.memory_space<hbm>>
        tpu.wait_indirect_dma semaphore(%run_scoped3A : memref<!tpu.dma_semaphore, #tpu.memory_space<semaphore_mem>>) src(%dma_wait3A_56 : memref<10000x128xf32, #tpu.memory_space<hbm>>) dst(%arg10 : memref<80x128xf32, #tpu.memory_space<vmem>>)
        tpu.yield
      }) : () -> ()
      "tpu.region"() ({
        %run_scoped3A = tpu.sem_alloc : memref<!tpu.dma_semaphore, #tpu.memory_space<semaphore_mem>>
        %dma_start3A = arith.constant 0 : i32
        %dma_start3A_53 = arith.constant 0 : i32
        %dma_start3A_54 = tpu.memref_slice %arg11[%dma_start3A, %dma_start3A_53] : memref<10000x128xf32, #tpu.memory_space<vmem_shared>> -> memref<10000x128xf32, #tpu.memory_space<vmem_shared>>
        tpu.enqueue_indirect_dma source(%arg10 : memref<80x128xf32, #tpu.memory_space<vmem>>) target(%dma_start3A_54 : memref<10000x128xf32, #tpu.memory_space<vmem_shared>>) offsets(%arg9 : memref<80xi32, #tpu.memory_space<vmem>>) semaphore(%run_scoped3A : memref<!tpu.dma_semaphore, #tpu.memory_space<semaphore_mem>>) {add = true}
        %dma_wait3A = arith.constant 0 : i32
        %dma_wait3A_55 = arith.constant 0 : i32
        %dma_wait3A_56 = tpu.memref_slice %arg11[%dma_wait3A, %dma_wait3A_55] : memref<10000x128xf32, #tpu.memory_space<vmem_shared>> -> memref<10000x128xf32, #tpu.memory_space<vmem_shared>>
        tpu.wait_indirect_dma semaphore(%run_scoped3A : memref<!tpu.dma_semaphore, #tpu.memory_space<semaphore_mem>>) src(%arg10 : memref<80x128xf32, #tpu.memory_space<vmem>>) dst(%dma_wait3A_56 : memref<10000x128xf32, #tpu.memory_space<vmem_shared>>)
        tpu.yield
      }) : () -> ()
    }
    %scan3A_13 = arith.constant 125 : i32
    %barrier3A_14 = arith.constant 0 : index
    tpu.barrier barrier_id(%barrier3A_14)
    %eq3A_15 = arith.constant 0 : i32
    %eq3A_16 = arith.cmpi eq, %arg0, %eq3A_15 : i32
    %lt3A_17 = arith.constant 15 : i32
    %lt3A_18 = arith.cmpi slt, %arg1, %lt3A_17 : i32
    %and3A = arith.andi %eq3A_16, %lt3A_18 : i1
    %convert_element_type3A_19 = arith.extui %and3A : i1 to i32
    %cond3A_20 = arith.constant 0 : i32
    %cond3A_21 = arith.cmpi ne, %convert_element_type3A_19, %cond3A_20 : i32
    scf.if %cond3A_21 {
      %mul3A_46 = arith.constant 624 : i32
      %mul3A_47 = arith.muli %arg1, %mul3A_46 : i32
      %mul3A_48 = arith.constant 624 : i32
      %mul3A_49 = arith.muli %arg1, %mul3A_48 : i32
      "tpu.region"() ({
        %run_scoped3A = tpu.sem_alloc : memref<!tpu.dma_semaphore, #tpu.memory_space<semaphore_mem>>
        %dma_start3A = arith.constant 0 : i32
        %dma_start3A_50 = tpu.memref_slice %arg6[%mul3A_49, %dma_start3A] : memref<10000x128xf32, #tpu.memory_space<hbm>> -> memref<624x128xf32, #tpu.memory_space<hbm>>
        %dma_start3A_51 = arith.constant 0 : i32
        %dma_start3A_52 = tpu.memref_slice %arg11[%mul3A_47, %dma_start3A_51] : memref<10000x128xf32, #tpu.memory_space<vmem_shared>> -> memref<624x128xf32, #tpu.memory_space<vmem_shared>>
        tpu.enqueue_dma source(%dma_start3A_52 : memref<624x128xf32, #tpu.memory_space<vmem_shared>>) target(%dma_start3A_50 : memref<624x128xf32, #tpu.memory_space<hbm>>) target_semaphore(%run_scoped3A : memref<!tpu.dma_semaphore, #tpu.memory_space<semaphore_mem>>)
        %dma_wait3A = arith.constant 0 : i32
        %dma_wait3A_53 = tpu.memref_slice %arg6[%mul3A_49, %dma_wait3A] : memref<10000x128xf32, #tpu.memory_space<hbm>> -> memref<624x128xf32, #tpu.memory_space<hbm>>
        %dma_wait3A_54 = arith.constant 0 : i32
        %dma_wait3A_55 = tpu.memref_slice %arg11[%mul3A_47, %dma_wait3A_54] : memref<10000x128xf32, #tpu.memory_space<vmem_shared>> -> memref<624x128xf32, #tpu.memory_space<vmem_shared>>
        tpu.wait_dma2 semaphore(%run_scoped3A : memref<!tpu.dma_semaphore, #tpu.memory_space<semaphore_mem>>) src(%dma_wait3A_55 : memref<624x128xf32, #tpu.memory_space<vmem_shared>>) dst(%dma_wait3A_53 : memref<624x128xf32, #tpu.memory_space<hbm>>)
        tpu.yield
      }) : () -> ()
    } else {
    }
    %eq3A_22 = arith.constant 0 : i32
    %eq3A_23 = arith.cmpi eq, %arg0, %eq3A_22 : i32
    %eq3A_24 = arith.constant 15 : i32
    %eq3A_25 = arith.cmpi eq, %arg1, %eq3A_24 : i32
    %and3A_26 = arith.andi %eq3A_23, %eq3A_25 : i1
    %convert_element_type3A_27 = arith.extui %and3A_26 : i1 to i32
    %cond3A_28 = arith.constant 0 : i32
    %cond3A_29 = arith.cmpi ne, %convert_element_type3A_27, %cond3A_28 : i32
    scf.if %cond3A_29 {
      "tpu.region"() ({
        %run_scoped3A = tpu.sem_alloc : memref<!tpu.dma_semaphore, #tpu.memory_space<semaphore_mem>>
        %dma_start3A = arith.constant 9360 : i32
        %dma_start3A_46 = arith.constant 0 : i32
        %dma_start3A_47 = tpu.memref_slice %arg6[%dma_start3A, %dma_start3A_46] : memref<10000x128xf32, #tpu.memory_space<hbm>> -> memref<640x128xf32, #tpu.memory_space<hbm>>
        %dma_start3A_48 = arith.constant 9360 : i32
        %dma_start3A_49 = arith.constant 0 : i32
        %dma_start3A_50 = tpu.memref_slice %arg11[%dma_start3A_48, %dma_start3A_49] : memref<10000x128xf32, #tpu.memory_space<vmem_shared>> -> memref<640x128xf32, #tpu.memory_space<vmem_shared>>
        tpu.enqueue_dma source(%dma_start3A_50 : memref<640x128xf32, #tpu.memory_space<vmem_shared>>) target(%dma_start3A_47 : memref<640x128xf32, #tpu.memory_space<hbm>>) target_semaphore(%run_scoped3A : memref<!tpu.dma_semaphore, #tpu.memory_space<semaphore_mem>>)
        %dma_wait3A = arith.constant 9360 : i32
        %dma_wait3A_51 = arith.constant 0 : i32
        %dma_wait3A_52 = tpu.memref_slice %arg6[%dma_wait3A, %dma_wait3A_51] : memref<10000x128xf32, #tpu.memory_space<hbm>> -> memref<640x128xf32, #tpu.memory_space<hbm>>
        %dma_wait3A_53 = arith.constant 9360 : i32
        %dma_wait3A_54 = arith.constant 0 : i32
        %dma_wait3A_55 = tpu.memref_slice %arg11[%dma_wait3A_53, %dma_wait3A_54] : memref<10000x128xf32, #tpu.memory_space<vmem_shared>> -> memref<640x128xf32, #tpu.memory_space<vmem_shared>>
        tpu.wait_dma2 semaphore(%run_scoped3A : memref<!tpu.dma_semaphore, #tpu.memory_space<semaphore_mem>>) src(%dma_wait3A_55 : memref<640x128xf32, #tpu.memory_space<vmem_shared>>) dst(%dma_wait3A_52 : memref<640x128xf32, #tpu.memory_space<hbm>>)
        tpu.yield
      }) : () -> ()
    } else {
    }
    %eq3A_30 = arith.constant 1 : i32
    %eq3A_31 = arith.cmpi eq, %arg0, %eq3A_30 : i32
    %lt3A_32 = arith.constant 15 : i32
    %lt3A_33 = arith.cmpi slt, %arg1, %lt3A_32 : i32
    %and3A_34 = arith.andi %eq3A_31, %lt3A_33 : i1
    %convert_element_type3A_35 = arith.extui %and3A_34 : i1 to i32
    %cond3A_36 = arith.constant 0 : i32
    %cond3A_37 = arith.cmpi ne, %convert_element_type3A_35, %cond3A_36 : i32
    scf.if %cond3A_37 {
      %mul3A_46 = arith.constant 624 : i32
      %mul3A_47 = arith.muli %arg1, %mul3A_46 : i32
      %mul3A_48 = arith.constant 624 : i32
      %mul3A_49 = arith.muli %arg1, %mul3A_48 : i32
      "tpu.region"() ({
        %run_scoped3A = tpu.sem_alloc : memref<!tpu.dma_semaphore, #tpu.memory_space<semaphore_mem>>
        %dma_start3A = arith.constant 0 : i32
        %dma_start3A_50 = tpu.memref_slice %arg7[%mul3A_49, %dma_start3A] : memref<10000x128xf32, #tpu.memory_space<hbm>> -> memref<624x128xf32, #tpu.memory_space<hbm>>
        %dma_start3A_51 = arith.constant 0 : i32
        %dma_start3A_52 = tpu.memref_slice %arg11[%mul3A_47, %dma_start3A_51] : memref<10000x128xf32, #tpu.memory_space<vmem_shared>> -> memref<624x128xf32, #tpu.memory_space<vmem_shared>>
        tpu.enqueue_dma source(%dma_start3A_52 : memref<624x128xf32, #tpu.memory_space<vmem_shared>>) target(%dma_start3A_50 : memref<624x128xf32, #tpu.memory_space<hbm>>) target_semaphore(%run_scoped3A : memref<!tpu.dma_semaphore, #tpu.memory_space<semaphore_mem>>)
        %dma_wait3A = arith.constant 0 : i32
        %dma_wait3A_53 = tpu.memref_slice %arg7[%mul3A_49, %dma_wait3A] : memref<10000x128xf32, #tpu.memory_space<hbm>> -> memref<624x128xf32, #tpu.memory_space<hbm>>
        %dma_wait3A_54 = arith.constant 0 : i32
        %dma_wait3A_55 = tpu.memref_slice %arg11[%mul3A_47, %dma_wait3A_54] : memref<10000x128xf32, #tpu.memory_space<vmem_shared>> -> memref<624x128xf32, #tpu.memory_space<vmem_shared>>
        tpu.wait_dma2 semaphore(%run_scoped3A : memref<!tpu.dma_semaphore, #tpu.memory_space<semaphore_mem>>) src(%dma_wait3A_55 : memref<624x128xf32, #tpu.memory_space<vmem_shared>>) dst(%dma_wait3A_53 : memref<624x128xf32, #tpu.memory_space<hbm>>)
        tpu.yield
      }) : () -> ()
    } else {
    }
    %eq3A_38 = arith.constant 1 : i32
    %eq3A_39 = arith.cmpi eq, %arg0, %eq3A_38 : i32
    %eq3A_40 = arith.constant 15 : i32
    %eq3A_41 = arith.cmpi eq, %arg1, %eq3A_40 : i32
    %and3A_42 = arith.andi %eq3A_39, %eq3A_41 : i1
    %convert_element_type3A_43 = arith.extui %and3A_42 : i1 to i32
    %cond3A_44 = arith.constant 0 : i32
    %cond3A_45 = arith.cmpi ne, %convert_element_type3A_43, %cond3A_44 : i32
    scf.if %cond3A_45 {
      "tpu.region"() ({
        %run_scoped3A = tpu.sem_alloc : memref<!tpu.dma_semaphore, #tpu.memory_space<semaphore_mem>>
        %dma_start3A = arith.constant 9360 : i32
        %dma_start3A_46 = arith.constant 0 : i32
        %dma_start3A_47 = tpu.memref_slice %arg7[%dma_start3A, %dma_start3A_46] : memref<10000x128xf32, #tpu.memory_space<hbm>> -> memref<640x128xf32, #tpu.memory_space<hbm>>
        %dma_start3A_48 = arith.constant 9360 : i32
        %dma_start3A_49 = arith.constant 0 : i32
        %dma_start3A_50 = tpu.memref_slice %arg11[%dma_start3A_48, %dma_start3A_49] : memref<10000x128xf32, #tpu.memory_space<vmem_shared>> -> memref<640x128xf32, #tpu.memory_space<vmem_shared>>
        tpu.enqueue_dma source(%dma_start3A_50 : memref<640x128xf32, #tpu.memory_space<vmem_shared>>) target(%dma_start3A_47 : memref<640x128xf32, #tpu.memory_space<hbm>>) target_semaphore(%run_scoped3A : memref<!tpu.dma_semaphore, #tpu.memory_space<semaphore_mem>>)
        %dma_wait3A = arith.constant 9360 : i32
        %dma_wait3A_51 = arith.constant 0 : i32
        %dma_wait3A_52 = tpu.memref_slice %arg7[%dma_wait3A, %dma_wait3A_51] : memref<10000x128xf32, #tpu.memory_space<hbm>> -> memref<640x128xf32, #tpu.memory_space<hbm>>
        %dma_wait3A_53 = arith.constant 9360 : i32
        %dma_wait3A_54 = arith.constant 0 : i32
        %dma_wait3A_55 = tpu.memref_slice %arg11[%dma_wait3A_53, %dma_wait3A_54] : memref<10000x128xf32, #tpu.memory_space<vmem_shared>> -> memref<640x128xf32, #tpu.memory_space<vmem_shared>>
        tpu.wait_dma2 semaphore(%run_scoped3A : memref<!tpu.dma_semaphore, #tpu.memory_space<semaphore_mem>>) src(%dma_wait3A_55 : memref<640x128xf32, #tpu.memory_space<vmem_shared>>) dst(%dma_wait3A_52 : memref<640x128xf32, #tpu.memory_space<hbm>>)
        tpu.yield
      }) : () -> ()
    } else {
    }
    return
  }
}

#map = affine_map<(d0, d1) -> (0, 0, 0)>
#map1 = affine_map<(d0, d1) -> (0, 0)>
module attributes {stable_mosaic.version = 14 : i64} {
  func.func @k(%arg0: i32, %arg1: i32, %arg2: memref<32x100x100xi32, #tpu.memory_space<hbm>>, %arg3: memref<100x16xf32, #tpu.memory_space<hbm>>, %arg4: memref<640x16xf32, #tpu.memory_space<hbm>>, %arg5: memref<10000x16xf32, #tpu.memory_space<hbm>>, %arg6: memref<10000x16xf32, #tpu.memory_space<hbm>>, %arg7: memref<100x100xi32, #tpu.memory_space<vmem>>, %arg8: memref<100x16xf32, #tpu.memory_space<vmem>>, %arg9: memref<10000x16xf32, #tpu.memory_space<vmem_shared>>) attributes {dimension_semantics = [#tpu.dimension_semantics<core_parallel>, #tpu.dimension_semantics<subcore_parallel>], iteration_bounds = array<i64: 2, 16>, scalar_prefetch = 0 : i64, scratch_operands = 3 : i64, tpu.core_type = #tpu.core_type<sc_vector_subcore>, window_params = [{transform_indices = #map}, {transform_indices = #map1}, {transform_indices = #map1}, {transform_indices = #map1}, {transform_indices = #map1}]} {
    %mul3A = arith.constant 16 : i32
    %mul3A_0 = arith.muli %arg0, %mul3A : i32
    %add3A = arith.addi %mul3A_0, %arg1 : i32
    %lt3A = arith.constant 15 : i32
    %lt3A_1 = arith.cmpi slt, %arg1, %lt3A : i32
    %convert_element_type3A = arith.extui %lt3A_1 : i1 to i32
    %cond3A = arith.constant 0 : i32
    %cond3A_2 = arith.cmpi ne, %convert_element_type3A, %cond3A : i32
    scf.if %cond3A_2 {
      %mul3A_44 = arith.constant 624 : i32
      %mul3A_45 = arith.muli %arg1, %mul3A_44 : i32
      "tpu.region"() ({
        %run_scoped3A = tpu.sem_alloc : memref<!tpu.dma_semaphore, #tpu.memory_space<semaphore_mem>>
        %dma_start3A = arith.constant 0 : i32
        %dma_start3A_46 = tpu.memref_slice %arg9[%mul3A_45, %dma_start3A] : memref<10000x16xf32, #tpu.memory_space<vmem_shared>> -> memref<624x16xf32, #tpu.memory_space<vmem_shared>>
        %dma_start3A_47 = arith.constant 0 : i32
        %dma_start3A_48 = arith.constant 0 : i32
        %dma_start3A_49 = tpu.memref_slice %arg4[%dma_start3A_47, %dma_start3A_48] : memref<640x16xf32, #tpu.memory_space<hbm>> -> memref<624x16xf32, #tpu.memory_space<hbm>>
        tpu.enqueue_dma source(%dma_start3A_49 : memref<624x16xf32, #tpu.memory_space<hbm>>) target(%dma_start3A_46 : memref<624x16xf32, #tpu.memory_space<vmem_shared>>) target_semaphore(%run_scoped3A : memref<!tpu.dma_semaphore, #tpu.memory_space<semaphore_mem>>)
        %dma_wait3A = arith.constant 0 : i32
        %dma_wait3A_50 = tpu.memref_slice %arg9[%mul3A_45, %dma_wait3A] : memref<10000x16xf32, #tpu.memory_space<vmem_shared>> -> memref<624x16xf32, #tpu.memory_space<vmem_shared>>
        %dma_wait3A_51 = arith.constant 0 : i32
        %dma_wait3A_52 = arith.constant 0 : i32
        %dma_wait3A_53 = tpu.memref_slice %arg4[%dma_wait3A_51, %dma_wait3A_52] : memref<640x16xf32, #tpu.memory_space<hbm>> -> memref<624x16xf32, #tpu.memory_space<hbm>>
        tpu.wait_dma2 semaphore(%run_scoped3A : memref<!tpu.dma_semaphore, #tpu.memory_space<semaphore_mem>>) src(%dma_wait3A_53 : memref<624x16xf32, #tpu.memory_space<hbm>>) dst(%dma_wait3A_50 : memref<624x16xf32, #tpu.memory_space<vmem_shared>>)
        tpu.yield
      }) : () -> ()
    } else {
    }
    %eq3A = arith.constant 15 : i32
    %eq3A_3 = arith.cmpi eq, %arg1, %eq3A : i32
    %convert_element_type3A_4 = arith.extui %eq3A_3 : i1 to i32
    %cond3A_5 = arith.constant 0 : i32
    %cond3A_6 = arith.cmpi ne, %convert_element_type3A_4, %cond3A_5 : i32
    scf.if %cond3A_6 {
      "tpu.region"() ({
        %run_scoped3A = tpu.sem_alloc : memref<!tpu.dma_semaphore, #tpu.memory_space<semaphore_mem>>
        %dma_start3A = arith.constant 9360 : i32
        %dma_start3A_44 = arith.constant 0 : i32
        %dma_start3A_45 = tpu.memref_slice %arg9[%dma_start3A, %dma_start3A_44] : memref<10000x16xf32, #tpu.memory_space<vmem_shared>> -> memref<640x16xf32, #tpu.memory_space<vmem_shared>>
        tpu.enqueue_dma source(%arg4 : memref<640x16xf32, #tpu.memory_space<hbm>>) target(%dma_start3A_45 : memref<640x16xf32, #tpu.memory_space<vmem_shared>>) target_semaphore(%run_scoped3A : memref<!tpu.dma_semaphore, #tpu.memory_space<semaphore_mem>>)
        %dma_wait3A = arith.constant 9360 : i32
        %dma_wait3A_46 = arith.constant 0 : i32
        %dma_wait3A_47 = tpu.memref_slice %arg9[%dma_wait3A, %dma_wait3A_46] : memref<10000x16xf32, #tpu.memory_space<vmem_shared>> -> memref<640x16xf32, #tpu.memory_space<vmem_shared>>
        tpu.wait_dma2 semaphore(%run_scoped3A : memref<!tpu.dma_semaphore, #tpu.memory_space<semaphore_mem>>) src(%arg4 : memref<640x16xf32, #tpu.memory_space<hbm>>) dst(%dma_wait3A_47 : memref<640x16xf32, #tpu.memory_space<vmem_shared>>)
        tpu.yield
      }) : () -> ()
    } else {
    }
    "tpu.region"() ({
      %run_scoped3A = tpu.sem_alloc : memref<!tpu.dma_semaphore, #tpu.memory_space<semaphore_mem>>
      tpu.enqueue_dma source(%arg3 : memref<100x16xf32, #tpu.memory_space<hbm>>) target(%arg8 : memref<100x16xf32, #tpu.memory_space<vmem>>) target_semaphore(%run_scoped3A : memref<!tpu.dma_semaphore, #tpu.memory_space<semaphore_mem>>)
      tpu.wait_dma2 semaphore(%run_scoped3A : memref<!tpu.dma_semaphore, #tpu.memory_space<semaphore_mem>>) src(%arg3 : memref<100x16xf32, #tpu.memory_space<hbm>>) dst(%arg8 : memref<100x16xf32, #tpu.memory_space<vmem>>)
      tpu.yield
    }) : () -> ()
    "tpu.region"() ({
      %run_scoped3A = tpu.sem_alloc : memref<!tpu.dma_semaphore, #tpu.memory_space<semaphore_mem>>
      %dma_start3A = arith.constant 0 : i32
      %dma_start3A_44 = arith.constant 0 : i32
      %dma_start3A_45 = tpu.memref_slice %arg2[%add3A, %dma_start3A, %dma_start3A_44] : memref<32x100x100xi32, #tpu.memory_space<hbm>> -> memref<1x100x100xi32, #tpu.memory_space<hbm>>
      %dma_start3A_46 = tpu.memref_squeeze %dma_start3A_45 : memref<1x100x100xi32, #tpu.memory_space<hbm>> -> memref<100x100xi32, #tpu.memory_space<hbm>>
      %dma_start3A_47 = arith.constant 0 : i32
      %dma_start3A_48 = arith.constant 0 : i32
      %dma_start3A_49 = tpu.memref_slice %arg2[%add3A, %dma_start3A_47, %dma_start3A_48] : memref<32x100x100xi32, #tpu.memory_space<hbm>> -> memref<1x100x100xi32, #tpu.memory_space<hbm>>
      %dma_start3A_50 = tpu.memref_squeeze %dma_start3A_49 : memref<1x100x100xi32, #tpu.memory_space<hbm>> -> memref<100x100xi32, #tpu.memory_space<hbm>>
      tpu.enqueue_dma source(%dma_start3A_50 : memref<100x100xi32, #tpu.memory_space<hbm>>) target(%arg7 : memref<100x100xi32, #tpu.memory_space<vmem>>) target_semaphore(%run_scoped3A : memref<!tpu.dma_semaphore, #tpu.memory_space<semaphore_mem>>)
      %dma_wait3A = arith.constant 0 : i32
      %dma_wait3A_51 = arith.constant 0 : i32
      %dma_wait3A_52 = tpu.memref_slice %arg2[%add3A, %dma_wait3A, %dma_wait3A_51] : memref<32x100x100xi32, #tpu.memory_space<hbm>> -> memref<1x100x100xi32, #tpu.memory_space<hbm>>
      %dma_wait3A_53 = tpu.memref_squeeze %dma_wait3A_52 : memref<1x100x100xi32, #tpu.memory_space<hbm>> -> memref<100x100xi32, #tpu.memory_space<hbm>>
      %dma_wait3A_54 = arith.constant 0 : i32
      %dma_wait3A_55 = arith.constant 0 : i32
      %dma_wait3A_56 = tpu.memref_slice %arg2[%add3A, %dma_wait3A_54, %dma_wait3A_55] : memref<32x100x100xi32, #tpu.memory_space<hbm>> -> memref<1x100x100xi32, #tpu.memory_space<hbm>>
      %dma_wait3A_57 = tpu.memref_squeeze %dma_wait3A_56 : memref<1x100x100xi32, #tpu.memory_space<hbm>> -> memref<100x100xi32, #tpu.memory_space<hbm>>
      tpu.wait_dma2 semaphore(%run_scoped3A : memref<!tpu.dma_semaphore, #tpu.memory_space<semaphore_mem>>) src(%dma_wait3A_57 : memref<100x100xi32, #tpu.memory_space<hbm>>) dst(%arg7 : memref<100x100xi32, #tpu.memory_space<vmem>>)
      tpu.yield
    }) : () -> ()
    %barrier3A = arith.constant 0 : index
    tpu.barrier barrier_id(%barrier3A)
    %scan3A = arith.constant 0 : i32
    %scan3A_7 = arith.constant 0 : i32
    %scan3A_8 = arith.constant 100 : i32
    %scan3A_9 = arith.addi %scan3A_7, %scan3A_8 : i32
    %scan3A_10 = arith.constant 1 : i32
    scf.for %scan3A_44 = %scan3A_7 to %scan3A_9 step %scan3A_10  : i32 {
      "tpu.region"() ({
        %run_scoped3A = tpu.sem_alloc : memref<!tpu.dma_semaphore, #tpu.memory_space<semaphore_mem>>
        %dma_start3A = arith.constant 0 : i32
        %dma_start3A_45 = tpu.memref_slice %arg7[%scan3A_44, %dma_start3A] : memref<100x100xi32, #tpu.memory_space<vmem>> -> memref<1x100xi32, #tpu.memory_space<vmem>>
        %dma_start3A_46 = tpu.memref_squeeze %dma_start3A_45 : memref<1x100xi32, #tpu.memory_space<vmem>> -> memref<100xi32, #tpu.memory_space<vmem>>
        %dma_start3A_47 = arith.constant 0 : i32
        %dma_start3A_48 = arith.constant 0 : i32
        %dma_start3A_49 = tpu.memref_slice %arg9[%dma_start3A_47, %dma_start3A_48] : memref<10000x16xf32, #tpu.memory_space<vmem_shared>> -> memref<10000x16xf32, #tpu.memory_space<vmem_shared>>
        tpu.enqueue_indirect_dma source(%arg8 : memref<100x16xf32, #tpu.memory_space<vmem>>) target(%dma_start3A_49 : memref<10000x16xf32, #tpu.memory_space<vmem_shared>>) offsets(%dma_start3A_46 : memref<100xi32, #tpu.memory_space<vmem>>) semaphore(%run_scoped3A : memref<!tpu.dma_semaphore, #tpu.memory_space<semaphore_mem>>) {add = true}
        %dma_wait3A = arith.constant 0 : i32
        %dma_wait3A_50 = tpu.memref_slice %arg7[%scan3A_44, %dma_wait3A] : memref<100x100xi32, #tpu.memory_space<vmem>> -> memref<1x100xi32, #tpu.memory_space<vmem>>
        %dma_wait3A_51 = tpu.memref_squeeze %dma_wait3A_50 : memref<1x100xi32, #tpu.memory_space<vmem>> -> memref<100xi32, #tpu.memory_space<vmem>>
        %dma_wait3A_52 = arith.constant 0 : i32
        %dma_wait3A_53 = arith.constant 0 : i32
        %dma_wait3A_54 = tpu.memref_slice %arg9[%dma_wait3A_52, %dma_wait3A_53] : memref<10000x16xf32, #tpu.memory_space<vmem_shared>> -> memref<10000x16xf32, #tpu.memory_space<vmem_shared>>
        tpu.wait_indirect_dma semaphore(%run_scoped3A : memref<!tpu.dma_semaphore, #tpu.memory_space<semaphore_mem>>) src(%arg8 : memref<100x16xf32, #tpu.memory_space<vmem>>) dst(%dma_wait3A_54 : memref<10000x16xf32, #tpu.memory_space<vmem_shared>>)
        tpu.yield
      }) : () -> ()
    }
    %scan3A_11 = arith.constant 100 : i32
    %barrier3A_12 = arith.constant 0 : index
    tpu.barrier barrier_id(%barrier3A_12)
    %eq3A_13 = arith.constant 0 : i32
    %eq3A_14 = arith.cmpi eq, %arg0, %eq3A_13 : i32
    %lt3A_15 = arith.constant 15 : i32
    %lt3A_16 = arith.cmpi slt, %arg1, %lt3A_15 : i32
    %and3A = arith.andi %eq3A_14, %lt3A_16 : i1
    %convert_element_type3A_17 = arith.extui %and3A : i1 to i32
    %cond3A_18 = arith.constant 0 : i32
    %cond3A_19 = arith.cmpi ne, %convert_element_type3A_17, %cond3A_18 : i32
    scf.if %cond3A_19 {
      %mul3A_44 = arith.constant 624 : i32
      %mul3A_45 = arith.muli %arg1, %mul3A_44 : i32
      %mul3A_46 = arith.constant 624 : i32
      %mul3A_47 = arith.muli %arg1, %mul3A_46 : i32
      "tpu.region"() ({
        %run_scoped3A = tpu.sem_alloc : memref<!tpu.dma_semaphore, #tpu.memory_space<semaphore_mem>>
        %dma_start3A = arith.constant 0 : i32
        %dma_start3A_48 = tpu.memref_slice %arg5[%mul3A_47, %dma_start3A] : memref<10000x16xf32, #tpu.memory_space<hbm>> -> memref<624x16xf32, #tpu.memory_space<hbm>>
        %dma_start3A_49 = arith.constant 0 : i32
        %dma_start3A_50 = tpu.memref_slice %arg9[%mul3A_45, %dma_start3A_49] : memref<10000x16xf32, #tpu.memory_space<vmem_shared>> -> memref<624x16xf32, #tpu.memory_space<vmem_shared>>
        tpu.enqueue_dma source(%dma_start3A_50 : memref<624x16xf32, #tpu.memory_space<vmem_shared>>) target(%dma_start3A_48 : memref<624x16xf32, #tpu.memory_space<hbm>>) target_semaphore(%run_scoped3A : memref<!tpu.dma_semaphore, #tpu.memory_space<semaphore_mem>>)
        %dma_wait3A = arith.constant 0 : i32
        %dma_wait3A_51 = tpu.memref_slice %arg5[%mul3A_47, %dma_wait3A] : memref<10000x16xf32, #tpu.memory_space<hbm>> -> memref<624x16xf32, #tpu.memory_space<hbm>>
        %dma_wait3A_52 = arith.constant 0 : i32
        %dma_wait3A_53 = tpu.memref_slice %arg9[%mul3A_45, %dma_wait3A_52] : memref<10000x16xf32, #tpu.memory_space<vmem_shared>> -> memref<624x16xf32, #tpu.memory_space<vmem_shared>>
        tpu.wait_dma2 semaphore(%run_scoped3A : memref<!tpu.dma_semaphore, #tpu.memory_space<semaphore_mem>>) src(%dma_wait3A_53 : memref<624x16xf32, #tpu.memory_space<vmem_shared>>) dst(%dma_wait3A_51 : memref<624x16xf32, #tpu.memory_space<hbm>>)
        tpu.yield
      }) : () -> ()
    } else {
    }
    %eq3A_20 = arith.constant 0 : i32
    %eq3A_21 = arith.cmpi eq, %arg0, %eq3A_20 : i32
    %eq3A_22 = arith.constant 15 : i32
    %eq3A_23 = arith.cmpi eq, %arg1, %eq3A_22 : i32
    %and3A_24 = arith.andi %eq3A_21, %eq3A_23 : i1
    %convert_element_type3A_25 = arith.extui %and3A_24 : i1 to i32
    %cond3A_26 = arith.constant 0 : i32
    %cond3A_27 = arith.cmpi ne, %convert_element_type3A_25, %cond3A_26 : i32
    scf.if %cond3A_27 {
      "tpu.region"() ({
        %run_scoped3A = tpu.sem_alloc : memref<!tpu.dma_semaphore, #tpu.memory_space<semaphore_mem>>
        %dma_start3A = arith.constant 9360 : i32
        %dma_start3A_44 = arith.constant 0 : i32
        %dma_start3A_45 = tpu.memref_slice %arg5[%dma_start3A, %dma_start3A_44] : memref<10000x16xf32, #tpu.memory_space<hbm>> -> memref<640x16xf32, #tpu.memory_space<hbm>>
        %dma_start3A_46 = arith.constant 9360 : i32
        %dma_start3A_47 = arith.constant 0 : i32
        %dma_start3A_48 = tpu.memref_slice %arg9[%dma_start3A_46, %dma_start3A_47] : memref<10000x16xf32, #tpu.memory_space<vmem_shared>> -> memref<640x16xf32, #tpu.memory_space<vmem_shared>>
        tpu.enqueue_dma source(%dma_start3A_48 : memref<640x16xf32, #tpu.memory_space<vmem_shared>>) target(%dma_start3A_45 : memref<640x16xf32, #tpu.memory_space<hbm>>) target_semaphore(%run_scoped3A : memref<!tpu.dma_semaphore, #tpu.memory_space<semaphore_mem>>)
        %dma_wait3A = arith.constant 9360 : i32
        %dma_wait3A_49 = arith.constant 0 : i32
        %dma_wait3A_50 = tpu.memref_slice %arg5[%dma_wait3A, %dma_wait3A_49] : memref<10000x16xf32, #tpu.memory_space<hbm>> -> memref<640x16xf32, #tpu.memory_space<hbm>>
        %dma_wait3A_51 = arith.constant 9360 : i32
        %dma_wait3A_52 = arith.constant 0 : i32
        %dma_wait3A_53 = tpu.memref_slice %arg9[%dma_wait3A_51, %dma_wait3A_52] : memref<10000x16xf32, #tpu.memory_space<vmem_shared>> -> memref<640x16xf32, #tpu.memory_space<vmem_shared>>
        tpu.wait_dma2 semaphore(%run_scoped3A : memref<!tpu.dma_semaphore, #tpu.memory_space<semaphore_mem>>) src(%dma_wait3A_53 : memref<640x16xf32, #tpu.memory_space<vmem_shared>>) dst(%dma_wait3A_50 : memref<640x16xf32, #tpu.memory_space<hbm>>)
        tpu.yield
      }) : () -> ()
    } else {
    }
    %eq3A_28 = arith.constant 1 : i32
    %eq3A_29 = arith.cmpi eq, %arg0, %eq3A_28 : i32
    %lt3A_30 = arith.constant 15 : i32
    %lt3A_31 = arith.cmpi slt, %arg1, %lt3A_30 : i32
    %and3A_32 = arith.andi %eq3A_29, %lt3A_31 : i1
    %convert_element_type3A_33 = arith.extui %and3A_32 : i1 to i32
    %cond3A_34 = arith.constant 0 : i32
    %cond3A_35 = arith.cmpi ne, %convert_element_type3A_33, %cond3A_34 : i32
    scf.if %cond3A_35 {
      %mul3A_44 = arith.constant 624 : i32
      %mul3A_45 = arith.muli %arg1, %mul3A_44 : i32
      %mul3A_46 = arith.constant 624 : i32
      %mul3A_47 = arith.muli %arg1, %mul3A_46 : i32
      "tpu.region"() ({
        %run_scoped3A = tpu.sem_alloc : memref<!tpu.dma_semaphore, #tpu.memory_space<semaphore_mem>>
        %dma_start3A = arith.constant 0 : i32
        %dma_start3A_48 = tpu.memref_slice %arg6[%mul3A_47, %dma_start3A] : memref<10000x16xf32, #tpu.memory_space<hbm>> -> memref<624x16xf32, #tpu.memory_space<hbm>>
        %dma_start3A_49 = arith.constant 0 : i32
        %dma_start3A_50 = tpu.memref_slice %arg9[%mul3A_45, %dma_start3A_49] : memref<10000x16xf32, #tpu.memory_space<vmem_shared>> -> memref<624x16xf32, #tpu.memory_space<vmem_shared>>
        tpu.enqueue_dma source(%dma_start3A_50 : memref<624x16xf32, #tpu.memory_space<vmem_shared>>) target(%dma_start3A_48 : memref<624x16xf32, #tpu.memory_space<hbm>>) target_semaphore(%run_scoped3A : memref<!tpu.dma_semaphore, #tpu.memory_space<semaphore_mem>>)
        %dma_wait3A = arith.constant 0 : i32
        %dma_wait3A_51 = tpu.memref_slice %arg6[%mul3A_47, %dma_wait3A] : memref<10000x16xf32, #tpu.memory_space<hbm>> -> memref<624x16xf32, #tpu.memory_space<hbm>>
        %dma_wait3A_52 = arith.constant 0 : i32
        %dma_wait3A_53 = tpu.memref_slice %arg9[%mul3A_45, %dma_wait3A_52] : memref<10000x16xf32, #tpu.memory_space<vmem_shared>> -> memref<624x16xf32, #tpu.memory_space<vmem_shared>>
        tpu.wait_dma2 semaphore(%run_scoped3A : memref<!tpu.dma_semaphore, #tpu.memory_space<semaphore_mem>>) src(%dma_wait3A_53 : memref<624x16xf32, #tpu.memory_space<vmem_shared>>) dst(%dma_wait3A_51 : memref<624x16xf32, #tpu.memory_space<hbm>>)
        tpu.yield
      }) : () -> ()
    } else {
    }
    %eq3A_36 = arith.constant 1 : i32
    %eq3A_37 = arith.cmpi eq, %arg0, %eq3A_36 : i32
    %eq3A_38 = arith.constant 15 : i32
    %eq3A_39 = arith.cmpi eq, %arg1, %eq3A_38 : i32
    %and3A_40 = arith.andi %eq3A_37, %eq3A_39 : i1
    %convert_element_type3A_41 = arith.extui %and3A_40 : i1 to i32
    %cond3A_42 = arith.constant 0 : i32
    %cond3A_43 = arith.cmpi ne, %convert_element_type3A_41, %cond3A_42 : i32
    scf.if %cond3A_43 {
      "tpu.region"() ({
        %run_scoped3A = tpu.sem_alloc : memref<!tpu.dma_semaphore, #tpu.memory_space<semaphore_mem>>
        %dma_start3A = arith.constant 9360 : i32
        %dma_start3A_44 = arith.constant 0 : i32
        %dma_start3A_45 = tpu.memref_slice %arg6[%dma_start3A, %dma_start3A_44] : memref<10000x16xf32, #tpu.memory_space<hbm>> -> memref<640x16xf32, #tpu.memory_space<hbm>>
        %dma_start3A_46 = arith.constant 9360 : i32
        %dma_start3A_47 = arith.constant 0 : i32
        %dma_start3A_48 = tpu.memref_slice %arg9[%dma_start3A_46, %dma_start3A_47] : memref<10000x16xf32, #tpu.memory_space<vmem_shared>> -> memref<640x16xf32, #tpu.memory_space<vmem_shared>>
        tpu.enqueue_dma source(%dma_start3A_48 : memref<640x16xf32, #tpu.memory_space<vmem_shared>>) target(%dma_start3A_45 : memref<640x16xf32, #tpu.memory_space<hbm>>) target_semaphore(%run_scoped3A : memref<!tpu.dma_semaphore, #tpu.memory_space<semaphore_mem>>)
        %dma_wait3A = arith.constant 9360 : i32
        %dma_wait3A_49 = arith.constant 0 : i32
        %dma_wait3A_50 = tpu.memref_slice %arg6[%dma_wait3A, %dma_wait3A_49] : memref<10000x16xf32, #tpu.memory_space<hbm>> -> memref<640x16xf32, #tpu.memory_space<hbm>>
        %dma_wait3A_51 = arith.constant 9360 : i32
        %dma_wait3A_52 = arith.constant 0 : i32
        %dma_wait3A_53 = tpu.memref_slice %arg9[%dma_wait3A_51, %dma_wait3A_52] : memref<10000x16xf32, #tpu.memory_space<vmem_shared>> -> memref<640x16xf32, #tpu.memory_space<vmem_shared>>
        tpu.wait_dma2 semaphore(%run_scoped3A : memref<!tpu.dma_semaphore, #tpu.memory_space<semaphore_mem>>) src(%dma_wait3A_53 : memref<640x16xf32, #tpu.memory_space<vmem_shared>>) dst(%dma_wait3A_50 : memref<640x16xf32, #tpu.memory_space<hbm>>)
        tpu.yield
      }) : () -> ()
    } else {
    }
    return
  }
}

#map = affine_map<(d0, d1) -> (0, 0)>
#map1 = affine_map<(d0, d1) -> (0)>
module attributes {stable_mosaic.version = 14 : i64} {
  func.func @k(%arg0: i32, %arg1: i32, %arg2: memref<10000x128xf32, #tpu.memory_space<hbm>>, %arg3: memref<320000xi32, #tpu.memory_space<hbm>>, %arg4: memref<320000xi32, #tpu.memory_space<hbm>>, %arg5: memref<640x128xf32, #tpu.memory_space<hbm>>, %arg6: memref<10000x128xf32, #tpu.memory_space<hbm>>, %arg7: memref<10000x128xf32, #tpu.memory_space<hbm>>, %arg8: memref<80xi32, #tpu.memory_space<vmem>>, %arg9: memref<80xi32, #tpu.memory_space<vmem>>, %arg10: memref<80x128xf32, #tpu.memory_space<vmem>>, %arg11: memref<10000x128xf32, #tpu.memory_space<vmem_shared>>) attributes {dimension_semantics = [#tpu.dimension_semantics<core_parallel>, #tpu.dimension_semantics<subcore_parallel>], iteration_bounds = array<i64: 2, 16>, scalar_prefetch = 0 : i64, scratch_operands = 4 : i64, tpu.core_type = #tpu.core_type<sc_vector_subcore>, window_params = [{transform_indices = #map}, {transform_indices = #map1}, {transform_indices = #map1}, {transform_indices = #map}, {transform_indices = #map}, {transform_indices = #map}]} {
    %mul3A = arith.constant 16 : i32
    %mul3A_0 = arith.muli %arg0, %mul3A : i32
    %add3A = arith.addi %mul3A_0, %arg1 : i32
    %mul3A_1 = arith.constant 10000 : i32
    %mul3A_2 = arith.muli %add3A, %mul3A_1 : i32
    %lt3A = arith.constant 15 : i32
    %lt3A_3 = arith.cmpi slt, %arg1, %lt3A : i32
    %convert_element_type3A = arith.extui %lt3A_3 : i1 to i32
    %cond3A = arith.constant 0 : i32
    %cond3A_4 = arith.cmpi ne, %convert_element_type3A, %cond3A : i32
    scf.if %cond3A_4 {
      %mul3A_46 = arith.constant 624 : i32
      %mul3A_47 = arith.muli %arg1, %mul3A_46 : i32
      "tpu.region"() ({
        %run_scoped3A = tpu.sem_alloc : memref<!tpu.dma_semaphore, #tpu.memory_space<semaphore_mem>>
        %dma_start3A = arith.constant 0 : i32
        %dma_start3A_48 = tpu.memref_slice %arg11[%mul3A_47, %dma_start3A] : memref<10000x128xf32, #tpu.memory_space<vmem_shared>> -> memref<624x128xf32, #tpu.memory_space<vmem_shared>>
        %dma_start3A_49 = arith.constant 0 : i32
        %dma_start3A_50 = arith.constant 0 : i32
        %dma_start3A_51 = tpu.memref_slice %arg5[%dma_start3A_49, %dma_start3A_50] : memref<640x128xf32, #tpu.memory_space<hbm>> -> memref<624x128xf32, #tpu.memory_space<hbm>>
        tpu.enqueue_dma source(%dma_start3A_51 : memref<624x128xf32, #tpu.memory_space<hbm>>) target(%dma_start3A_48 : memref<624x128xf32, #tpu.memory_space<vmem_shared>>) target_semaphore(%run_scoped3A : memref<!tpu.dma_semaphore, #tpu.memory_space<semaphore_mem>>)
        %dma_wait3A = arith.constant 0 : i32
        %dma_wait3A_52 = tpu.memref_slice %arg11[%mul3A_47, %dma_wait3A] : memref<10000x128xf32, #tpu.memory_space<vmem_shared>> -> memref<624x128xf32, #tpu.memory_space<vmem_shared>>
        %dma_wait3A_53 = arith.constant 0 : i32
        %dma_wait3A_54 = arith.constant 0 : i32
        %dma_wait3A_55 = tpu.memref_slice %arg5[%dma_wait3A_53, %dma_wait3A_54] : memref<640x128xf32, #tpu.memory_space<hbm>> -> memref<624x128xf32, #tpu.memory_space<hbm>>
        tpu.wait_dma2 semaphore(%run_scoped3A : memref<!tpu.dma_semaphore, #tpu.memory_space<semaphore_mem>>) src(%dma_wait3A_55 : memref<624x128xf32, #tpu.memory_space<hbm>>) dst(%dma_wait3A_52 : memref<624x128xf32, #tpu.memory_space<vmem_shared>>)
        tpu.yield
      }) : () -> ()
    } else {
    }
    %eq3A = arith.constant 15 : i32
    %eq3A_5 = arith.cmpi eq, %arg1, %eq3A : i32
    %convert_element_type3A_6 = arith.extui %eq3A_5 : i1 to i32
    %cond3A_7 = arith.constant 0 : i32
    %cond3A_8 = arith.cmpi ne, %convert_element_type3A_6, %cond3A_7 : i32
    scf.if %cond3A_8 {
      "tpu.region"() ({
        %run_scoped3A = tpu.sem_alloc : memref<!tpu.dma_semaphore, #tpu.memory_space<semaphore_mem>>
        %dma_start3A = arith.constant 9360 : i32
        %dma_start3A_46 = arith.constant 0 : i32
        %dma_start3A_47 = tpu.memref_slice %arg11[%dma_start3A, %dma_start3A_46] : memref<10000x128xf32, #tpu.memory_space<vmem_shared>> -> memref<640x128xf32, #tpu.memory_space<vmem_shared>>
        tpu.enqueue_dma source(%arg5 : memref<640x128xf32, #tpu.memory_space<hbm>>) target(%dma_start3A_47 : memref<640x128xf32, #tpu.memory_space<vmem_shared>>) target_semaphore(%run_scoped3A : memref<!tpu.dma_semaphore, #tpu.memory_space<semaphore_mem>>)
        %dma_wait3A = arith.constant 9360 : i32
        %dma_wait3A_48 = arith.constant 0 : i32
        %dma_wait3A_49 = tpu.memref_slice %arg11[%dma_wait3A, %dma_wait3A_48] : memref<10000x128xf32, #tpu.memory_space<vmem_shared>> -> memref<640x128xf32, #tpu.memory_space<vmem_shared>>
        tpu.wait_dma2 semaphore(%run_scoped3A : memref<!tpu.dma_semaphore, #tpu.memory_space<semaphore_mem>>) src(%arg5 : memref<640x128xf32, #tpu.memory_space<hbm>>) dst(%dma_wait3A_49 : memref<640x128xf32, #tpu.memory_space<vmem_shared>>)
        tpu.yield
      }) : () -> ()
    } else {
    }
    %barrier3A = arith.constant 0 : index
    tpu.barrier barrier_id(%barrier3A)
    %scan3A = arith.constant 0 : i32
    %scan3A_9 = arith.constant 0 : i32
    %scan3A_10 = arith.constant 125 : i32
    %scan3A_11 = arith.addi %scan3A_9, %scan3A_10 : i32
    %scan3A_12 = arith.constant 1 : i32
    scf.for %scan3A_46 = %scan3A_9 to %scan3A_11 step %scan3A_12  : i32 {
      %mul3A_47 = arith.constant 80 : i32
      %mul3A_48 = arith.muli %scan3A_46, %mul3A_47 : i32
      %add3A_49 = arith.addi %mul3A_2, %mul3A_48 : i32
      "tpu.region"() ({
        %run_scoped3A = tpu.sem_alloc : memref<!tpu.dma_semaphore, #tpu.memory_space<semaphore_mem>>
        %dma_start3A = tpu.memref_slice %arg3[%add3A_49] : memref<320000xi32, #tpu.memory_space<hbm>> -> memref<80xi32, #tpu.memory_space<hbm>>
        %dma_start3A_53 = tpu.memref_slice %arg3[%add3A_49] : memref<320000xi32, #tpu.memory_space<hbm>> -> memref<80xi32, #tpu.memory_space<hbm>>
        tpu.enqueue_dma source(%dma_start3A_53 : memref<80xi32, #tpu.memory_space<hbm>>) target(%arg8 : memref<80xi32, #tpu.memory_space<vmem>>) target_semaphore(%run_scoped3A : memref<!tpu.dma_semaphore, #tpu.memory_space<semaphore_mem>>)
        %dma_wait3A = tpu.memref_slice %arg3[%add3A_49] : memref<320000xi32, #tpu.memory_space<hbm>> -> memref<80xi32, #tpu.memory_space<hbm>>
        %dma_wait3A_54 = tpu.memref_slice %arg3[%add3A_49] : memref<320000xi32, #tpu.memory_space<hbm>> -> memref<80xi32, #tpu.memory_space<hbm>>
        tpu.wait_dma2 semaphore(%run_scoped3A : memref<!tpu.dma_semaphore, #tpu.memory_space<semaphore_mem>>) src(%dma_wait3A_54 : memref<80xi32, #tpu.memory_space<hbm>>) dst(%arg8 : memref<80xi32, #tpu.memory_space<vmem>>)
        tpu.yield
      }) : () -> ()
      %mul3A_50 = arith.constant 80 : i32
      %mul3A_51 = arith.muli %scan3A_46, %mul3A_50 : i32
      %add3A_52 = arith.addi %mul3A_2, %mul3A_51 : i32
      "tpu.region"() ({
        %run_scoped3A = tpu.sem_alloc : memref<!tpu.dma_semaphore, #tpu.memory_space<semaphore_mem>>
        %dma_start3A = tpu.memref_slice %arg4[%add3A_52] : memref<320000xi32, #tpu.memory_space<hbm>> -> memref<80xi32, #tpu.memory_space<hbm>>
        %dma_start3A_53 = tpu.memref_slice %arg4[%add3A_52] : memref<320000xi32, #tpu.memory_space<hbm>> -> memref<80xi32, #tpu.memory_space<hbm>>
        tpu.enqueue_dma source(%dma_start3A_53 : memref<80xi32, #tpu.memory_space<hbm>>) target(%arg9 : memref<80xi32, #tpu.memory_space<vmem>>) target_semaphore(%run_scoped3A : memref<!tpu.dma_semaphore, #tpu.memory_space<semaphore_mem>>)
        %dma_wait3A = tpu.memref_slice %arg4[%add3A_52] : memref<320000xi32, #tpu.memory_space<hbm>> -> memref<80xi32, #tpu.memory_space<hbm>>
        %dma_wait3A_54 = tpu.memref_slice %arg4[%add3A_52] : memref<320000xi32, #tpu.memory_space<hbm>> -> memref<80xi32, #tpu.memory_space<hbm>>
        tpu.wait_dma2 semaphore(%run_scoped3A : memref<!tpu.dma_semaphore, #tpu.memory_space<semaphore_mem>>) src(%dma_wait3A_54 : memref<80xi32, #tpu.memory_space<hbm>>) dst(%arg9 : memref<80xi32, #tpu.memory_space<vmem>>)
        tpu.yield
      }) : () -> ()
      "tpu.region"() ({
        %run_scoped3A = tpu.sem_alloc : memref<!tpu.dma_semaphore, #tpu.memory_space<semaphore_mem>>
        %dma_start3A = arith.constant 0 : i32
        %dma_start3A_53 = arith.constant 0 : i32
        %dma_start3A_54 = tpu.memref_slice %arg2[%dma_start3A, %dma_start3A_53] : memref<10000x128xf32, #tpu.memory_space<hbm>> -> memref<10000x128xf32, #tpu.memory_space<hbm>>
        tpu.enqueue_indirect_dma source(%dma_start3A_54 : memref<10000x128xf32, #tpu.memory_space<hbm>>) target(%arg10 : memref<80x128xf32, #tpu.memory_space<vmem>>) offsets(%arg8 : memref<80xi32, #tpu.memory_space<vmem>>) semaphore(%run_scoped3A : memref<!tpu.dma_semaphore, #tpu.memory_space<semaphore_mem>>)
        %dma_wait3A = arith.constant 0 : i32
        %dma_wait3A_55 = arith.constant 0 : i32
        %dma_wait3A_56 = tpu.memref_slice %arg2[%dma_wait3A, %dma_wait3A_55] : memref<10000x128xf32, #tpu.memory_space<hbm>> -> memref<10000x128xf32, #tpu.memory_space<hbm>>
        tpu.wait_indirect_dma semaphore(%run_scoped3A : memref<!tpu.dma_semaphore, #tpu.memory_space<semaphore_mem>>) src(%dma_wait3A_56 : memref<10000x128xf32, #tpu.memory_space<hbm>>) dst(%arg10 : memref<80x128xf32, #tpu.memory_space<vmem>>)
        tpu.yield
      }) : () -> ()
      "tpu.region"() ({
        %run_scoped3A = tpu.sem_alloc : memref<!tpu.dma_semaphore, #tpu.memory_space<semaphore_mem>>
        %dma_start3A = arith.constant 0 : i32
        %dma_start3A_53 = arith.constant 0 : i32
        %dma_start3A_54 = tpu.memref_slice %arg11[%dma_start3A, %dma_start3A_53] : memref<10000x128xf32, #tpu.memory_space<vmem_shared>> -> memref<10000x128xf32, #tpu.memory_space<vmem_shared>>
        tpu.enqueue_indirect_dma source(%arg10 : memref<80x128xf32, #tpu.memory_space<vmem>>) target(%dma_start3A_54 : memref<10000x128xf32, #tpu.memory_space<vmem_shared>>) offsets(%arg9 : memref<80xi32, #tpu.memory_space<vmem>>) semaphore(%run_scoped3A : memref<!tpu.dma_semaphore, #tpu.memory_space<semaphore_mem>>) {add = true}
        %dma_wait3A = arith.constant 0 : i32
        %dma_wait3A_55 = arith.constant 0 : i32
        %dma_wait3A_56 = tpu.memref_slice %arg11[%dma_wait3A, %dma_wait3A_55] : memref<10000x128xf32, #tpu.memory_space<vmem_shared>> -> memref<10000x128xf32, #tpu.memory_space<vmem_shared>>
        tpu.wait_indirect_dma semaphore(%run_scoped3A : memref<!tpu.dma_semaphore, #tpu.memory_space<semaphore_mem>>) src(%arg10 : memref<80x128xf32, #tpu.memory_space<vmem>>) dst(%dma_wait3A_56 : memref<10000x128xf32, #tpu.memory_space<vmem_shared>>)
        tpu.yield
      }) : () -> ()
    }
    %scan3A_13 = arith.constant 125 : i32
    %barrier3A_14 = arith.constant 0 : index
    tpu.barrier barrier_id(%barrier3A_14)
    %eq3A_15 = arith.constant 0 : i32
    %eq3A_16 = arith.cmpi eq, %arg0, %eq3A_15 : i32
    %lt3A_17 = arith.constant 15 : i32
    %lt3A_18 = arith.cmpi slt, %arg1, %lt3A_17 : i32
    %and3A = arith.andi %eq3A_16, %lt3A_18 : i1
    %convert_element_type3A_19 = arith.extui %and3A : i1 to i32
    %cond3A_20 = arith.constant 0 : i32
    %cond3A_21 = arith.cmpi ne, %convert_element_type3A_19, %cond3A_20 : i32
    scf.if %cond3A_21 {
      %mul3A_46 = arith.constant 624 : i32
      %mul3A_47 = arith.muli %arg1, %mul3A_46 : i32
      %mul3A_48 = arith.constant 624 : i32
      %mul3A_49 = arith.muli %arg1, %mul3A_48 : i32
      "tpu.region"() ({
        %run_scoped3A = tpu.sem_alloc : memref<!tpu.dma_semaphore, #tpu.memory_space<semaphore_mem>>
        %dma_start3A = arith.constant 0 : i32
        %dma_start3A_50 = tpu.memref_slice %arg6[%mul3A_49, %dma_start3A] : memref<10000x128xf32, #tpu.memory_space<hbm>> -> memref<624x128xf32, #tpu.memory_space<hbm>>
        %dma_start3A_51 = arith.constant 0 : i32
        %dma_start3A_52 = tpu.memref_slice %arg11[%mul3A_47, %dma_start3A_51] : memref<10000x128xf32, #tpu.memory_space<vmem_shared>> -> memref<624x128xf32, #tpu.memory_space<vmem_shared>>
        tpu.enqueue_dma source(%dma_start3A_52 : memref<624x128xf32, #tpu.memory_space<vmem_shared>>) target(%dma_start3A_50 : memref<624x128xf32, #tpu.memory_space<hbm>>) target_semaphore(%run_scoped3A : memref<!tpu.dma_semaphore, #tpu.memory_space<semaphore_mem>>)
        %dma_wait3A = arith.constant 0 : i32
        %dma_wait3A_53 = tpu.memref_slice %arg6[%mul3A_49, %dma_wait3A] : memref<10000x128xf32, #tpu.memory_space<hbm>> -> memref<624x128xf32, #tpu.memory_space<hbm>>
        %dma_wait3A_54 = arith.constant 0 : i32
        %dma_wait3A_55 = tpu.memref_slice %arg11[%mul3A_47, %dma_wait3A_54] : memref<10000x128xf32, #tpu.memory_space<vmem_shared>> -> memref<624x128xf32, #tpu.memory_space<vmem_shared>>
        tpu.wait_dma2 semaphore(%run_scoped3A : memref<!tpu.dma_semaphore, #tpu.memory_space<semaphore_mem>>) src(%dma_wait3A_55 : memref<624x128xf32, #tpu.memory_space<vmem_shared>>) dst(%dma_wait3A_53 : memref<624x128xf32, #tpu.memory_space<hbm>>)
        tpu.yield
      }) : () -> ()
    } else {
    }
    %eq3A_22 = arith.constant 0 : i32
    %eq3A_23 = arith.cmpi eq, %arg0, %eq3A_22 : i32
    %eq3A_24 = arith.constant 15 : i32
    %eq3A_25 = arith.cmpi eq, %arg1, %eq3A_24 : i32
    %and3A_26 = arith.andi %eq3A_23, %eq3A_25 : i1
    %convert_element_type3A_27 = arith.extui %and3A_26 : i1 to i32
    %cond3A_28 = arith.constant 0 : i32
    %cond3A_29 = arith.cmpi ne, %convert_element_type3A_27, %cond3A_28 : i32
    scf.if %cond3A_29 {
      "tpu.region"() ({
        %run_scoped3A = tpu.sem_alloc : memref<!tpu.dma_semaphore, #tpu.memory_space<semaphore_mem>>
        %dma_start3A = arith.constant 9360 : i32
        %dma_start3A_46 = arith.constant 0 : i32
        %dma_start3A_47 = tpu.memref_slice %arg6[%dma_start3A, %dma_start3A_46] : memref<10000x128xf32, #tpu.memory_space<hbm>> -> memref<640x128xf32, #tpu.memory_space<hbm>>
        %dma_start3A_48 = arith.constant 9360 : i32
        %dma_start3A_49 = arith.constant 0 : i32
        %dma_start3A_50 = tpu.memref_slice %arg11[%dma_start3A_48, %dma_start3A_49] : memref<10000x128xf32, #tpu.memory_space<vmem_shared>> -> memref<640x128xf32, #tpu.memory_space<vmem_shared>>
        tpu.enqueue_dma source(%dma_start3A_50 : memref<640x128xf32, #tpu.memory_space<vmem_shared>>) target(%dma_start3A_47 : memref<640x128xf32, #tpu.memory_space<hbm>>) target_semaphore(%run_scoped3A : memref<!tpu.dma_semaphore, #tpu.memory_space<semaphore_mem>>)
        %dma_wait3A = arith.constant 9360 : i32
        %dma_wait3A_51 = arith.constant 0 : i32
        %dma_wait3A_52 = tpu.memref_slice %arg6[%dma_wait3A, %dma_wait3A_51] : memref<10000x128xf32, #tpu.memory_space<hbm>> -> memref<640x128xf32, #tpu.memory_space<hbm>>
        %dma_wait3A_53 = arith.constant 9360 : i32
        %dma_wait3A_54 = arith.constant 0 : i32
        %dma_wait3A_55 = tpu.memref_slice %arg11[%dma_wait3A_53, %dma_wait3A_54] : memref<10000x128xf32, #tpu.memory_space<vmem_shared>> -> memref<640x128xf32, #tpu.memory_space<vmem_shared>>
        tpu.wait_dma2 semaphore(%run_scoped3A : memref<!tpu.dma_semaphore, #tpu.memory_space<semaphore_mem>>) src(%dma_wait3A_55 : memref<640x128xf32, #tpu.memory_space<vmem_shared>>) dst(%dma_wait3A_52 : memref<640x128xf32, #tpu.memory_space<hbm>>)
        tpu.yield
      }) : () -> ()
    } else {
    }
    %eq3A_30 = arith.constant 1 : i32
    %eq3A_31 = arith.cmpi eq, %arg0, %eq3A_30 : i32
    %lt3A_32 = arith.constant 15 : i32
    %lt3A_33 = arith.cmpi slt, %arg1, %lt3A_32 : i32
    %and3A_34 = arith.andi %eq3A_31, %lt3A_33 : i1
    %convert_element_type3A_35 = arith.extui %and3A_34 : i1 to i32
    %cond3A_36 = arith.constant 0 : i32
    %cond3A_37 = arith.cmpi ne, %convert_element_type3A_35, %cond3A_36 : i32
    scf.if %cond3A_37 {
      %mul3A_46 = arith.constant 624 : i32
      %mul3A_47 = arith.muli %arg1, %mul3A_46 : i32
      %mul3A_48 = arith.constant 624 : i32
      %mul3A_49 = arith.muli %arg1, %mul3A_48 : i32
      "tpu.region"() ({
        %run_scoped3A = tpu.sem_alloc : memref<!tpu.dma_semaphore, #tpu.memory_space<semaphore_mem>>
        %dma_start3A = arith.constant 0 : i32
        %dma_start3A_50 = tpu.memref_slice %arg7[%mul3A_49, %dma_start3A] : memref<10000x128xf32, #tpu.memory_space<hbm>> -> memref<624x128xf32, #tpu.memory_space<hbm>>
        %dma_start3A_51 = arith.constant 0 : i32
        %dma_start3A_52 = tpu.memref_slice %arg11[%mul3A_47, %dma_start3A_51] : memref<10000x128xf32, #tpu.memory_space<vmem_shared>> -> memref<624x128xf32, #tpu.memory_space<vmem_shared>>
        tpu.enqueue_dma source(%dma_start3A_52 : memref<624x128xf32, #tpu.memory_space<vmem_shared>>) target(%dma_start3A_50 : memref<624x128xf32, #tpu.memory_space<hbm>>) target_semaphore(%run_scoped3A : memref<!tpu.dma_semaphore, #tpu.memory_space<semaphore_mem>>)
        %dma_wait3A = arith.constant 0 : i32
        %dma_wait3A_53 = tpu.memref_slice %arg7[%mul3A_49, %dma_wait3A] : memref<10000x128xf32, #tpu.memory_space<hbm>> -> memref<624x128xf32, #tpu.memory_space<hbm>>
        %dma_wait3A_54 = arith.constant 0 : i32
        %dma_wait3A_55 = tpu.memref_slice %arg11[%mul3A_47, %dma_wait3A_54] : memref<10000x128xf32, #tpu.memory_space<vmem_shared>> -> memref<624x128xf32, #tpu.memory_space<vmem_shared>>
        tpu.wait_dma2 semaphore(%run_scoped3A : memref<!tpu.dma_semaphore, #tpu.memory_space<semaphore_mem>>) src(%dma_wait3A_55 : memref<624x128xf32, #tpu.memory_space<vmem_shared>>) dst(%dma_wait3A_53 : memref<624x128xf32, #tpu.memory_space<hbm>>)
        tpu.yield
      }) : () -> ()
    } else {
    }
    %eq3A_38 = arith.constant 1 : i32
    %eq3A_39 = arith.cmpi eq, %arg0, %eq3A_38 : i32
    %eq3A_40 = arith.constant 15 : i32
    %eq3A_41 = arith.cmpi eq, %arg1, %eq3A_40 : i32
    %and3A_42 = arith.andi %eq3A_39, %eq3A_41 : i1
    %convert_element_type3A_43 = arith.extui %and3A_42 : i1 to i32
    %cond3A_44 = arith.constant 0 : i32
    %cond3A_45 = arith.cmpi ne, %convert_element_type3A_43, %cond3A_44 : i32
    scf.if %cond3A_45 {
      "tpu.region"() ({
        %run_scoped3A = tpu.sem_alloc : memref<!tpu.dma_semaphore, #tpu.memory_space<semaphore_mem>>
        %dma_start3A = arith.constant 9360 : i32
        %dma_start3A_46 = arith.constant 0 : i32
        %dma_start3A_47 = tpu.memref_slice %arg7[%dma_start3A, %dma_start3A_46] : memref<10000x128xf32, #tpu.memory_space<hbm>> -> memref<640x128xf32, #tpu.memory_space<hbm>>
        %dma_start3A_48 = arith.constant 9360 : i32
        %dma_start3A_49 = arith.constant 0 : i32
        %dma_start3A_50 = tpu.memref_slice %arg11[%dma_start3A_48, %dma_start3A_49] : memref<10000x128xf32, #tpu.memory_space<vmem_shared>> -> memref<640x128xf32, #tpu.memory_space<vmem_shared>>
        tpu.enqueue_dma source(%dma_start3A_50 : memref<640x128xf32, #tpu.memory_space<vmem_shared>>) target(%dma_start3A_47 : memref<640x128xf32, #tpu.memory_space<hbm>>) target_semaphore(%run_scoped3A : memref<!tpu.dma_semaphore, #tpu.memory_space<semaphore_mem>>)
        %dma_wait3A = arith.constant 9360 : i32
        %dma_wait3A_51 = arith.constant 0 : i32
        %dma_wait3A_52 = tpu.memref_slice %arg7[%dma_wait3A, %dma_wait3A_51] : memref<10000x128xf32, #tpu.memory_space<hbm>> -> memref<640x128xf32, #tpu.memory_space<hbm>>
        %dma_wait3A_53 = arith.constant 9360 : i32
        %dma_wait3A_54 = arith.constant 0 : i32
        %dma_wait3A_55 = tpu.memref_slice %arg11[%dma_wait3A_53, %dma_wait3A_54] : memref<10000x128xf32, #tpu.memory_space<vmem_shared>> -> memref<640x128xf32, #tpu.memory_space<vmem_shared>>
        tpu.wait_dma2 semaphore(%run_scoped3A : memref<!tpu.dma_semaphore, #tpu.memory_space<semaphore_mem>>) src(%dma_wait3A_55 : memref<640x128xf32, #tpu.memory_space<vmem_shared>>) dst(%dma_wait3A_52 : memref<640x128xf32, #tpu.memory_space<hbm>>)
        tpu.yield
      }) : () -> ()
    } else {
    }
    return
  }
}

#map = affine_map<(d0, d1) -> (0, 0)>
#map1 = affine_map<(d0, d1) -> (0)>
module attributes {stable_mosaic.version = 14 : i64} {
  func.func @k(%arg0: i32, %arg1: i32, %arg2: memref<10000x128xf32, #tpu.memory_space<hbm>>, %arg3: memref<320000xi32, #tpu.memory_space<hbm>>, %arg4: memref<320000xi32, #tpu.memory_space<hbm>>, %arg5: memref<640x128xf32, #tpu.memory_space<hbm>>, %arg6: memref<10000x128xf32, #tpu.memory_space<hbm>>, %arg7: memref<10000x128xf32, #tpu.memory_space<hbm>>, %arg8: memref<80xi32, #tpu.memory_space<vmem>>, %arg9: memref<80xi32, #tpu.memory_space<vmem>>, %arg10: memref<80x128xf32, #tpu.memory_space<vmem>>, %arg11: memref<10000x128xf32, #tpu.memory_space<vmem_shared>>) attributes {dimension_semantics = [#tpu.dimension_semantics<core_parallel>, #tpu.dimension_semantics<subcore_parallel>], iteration_bounds = array<i64: 2, 16>, scalar_prefetch = 0 : i64, scratch_operands = 4 : i64, tpu.core_type = #tpu.core_type<sc_vector_subcore>, window_params = [{transform_indices = #map}, {transform_indices = #map1}, {transform_indices = #map1}, {transform_indices = #map}, {transform_indices = #map}, {transform_indices = #map}]} {
    %mul3A = arith.constant 16 : i32
    %mul3A_0 = arith.muli %arg0, %mul3A : i32
    %add3A = arith.addi %mul3A_0, %arg1 : i32
    %mul3A_1 = arith.constant 10000 : i32
    %mul3A_2 = arith.muli %add3A, %mul3A_1 : i32
    %lt3A = arith.constant 15 : i32
    %lt3A_3 = arith.cmpi slt, %arg1, %lt3A : i32
    %convert_element_type3A = arith.extui %lt3A_3 : i1 to i32
    %cond3A = arith.constant 0 : i32
    %cond3A_4 = arith.cmpi ne, %convert_element_type3A, %cond3A : i32
    scf.if %cond3A_4 {
      %mul3A_46 = arith.constant 624 : i32
      %mul3A_47 = arith.muli %arg1, %mul3A_46 : i32
      "tpu.region"() ({
        %run_scoped3A = tpu.sem_alloc : memref<!tpu.dma_semaphore, #tpu.memory_space<semaphore_mem>>
        %dma_start3A = arith.constant 0 : i32
        %dma_start3A_48 = tpu.memref_slice %arg11[%mul3A_47, %dma_start3A] : memref<10000x128xf32, #tpu.memory_space<vmem_shared>> -> memref<624x128xf32, #tpu.memory_space<vmem_shared>>
        %dma_start3A_49 = arith.constant 0 : i32
        %dma_start3A_50 = arith.constant 0 : i32
        %dma_start3A_51 = tpu.memref_slice %arg5[%dma_start3A_49, %dma_start3A_50] : memref<640x128xf32, #tpu.memory_space<hbm>> -> memref<624x128xf32, #tpu.memory_space<hbm>>
        tpu.enqueue_dma source(%dma_start3A_51 : memref<624x128xf32, #tpu.memory_space<hbm>>) target(%dma_start3A_48 : memref<624x128xf32, #tpu.memory_space<vmem_shared>>) target_semaphore(%run_scoped3A : memref<!tpu.dma_semaphore, #tpu.memory_space<semaphore_mem>>)
        %dma_wait3A = arith.constant 0 : i32
        %dma_wait3A_52 = tpu.memref_slice %arg11[%mul3A_47, %dma_wait3A] : memref<10000x128xf32, #tpu.memory_space<vmem_shared>> -> memref<624x128xf32, #tpu.memory_space<vmem_shared>>
        %dma_wait3A_53 = arith.constant 0 : i32
        %dma_wait3A_54 = arith.constant 0 : i32
        %dma_wait3A_55 = tpu.memref_slice %arg5[%dma_wait3A_53, %dma_wait3A_54] : memref<640x128xf32, #tpu.memory_space<hbm>> -> memref<624x128xf32, #tpu.memory_space<hbm>>
        tpu.wait_dma2 semaphore(%run_scoped3A : memref<!tpu.dma_semaphore, #tpu.memory_space<semaphore_mem>>) src(%dma_wait3A_55 : memref<624x128xf32, #tpu.memory_space<hbm>>) dst(%dma_wait3A_52 : memref<624x128xf32, #tpu.memory_space<vmem_shared>>)
        tpu.yield
      }) : () -> ()
    } else {
    }
    %eq3A = arith.constant 15 : i32
    %eq3A_5 = arith.cmpi eq, %arg1, %eq3A : i32
    %convert_element_type3A_6 = arith.extui %eq3A_5 : i1 to i32
    %cond3A_7 = arith.constant 0 : i32
    %cond3A_8 = arith.cmpi ne, %convert_element_type3A_6, %cond3A_7 : i32
    scf.if %cond3A_8 {
      "tpu.region"() ({
        %run_scoped3A = tpu.sem_alloc : memref<!tpu.dma_semaphore, #tpu.memory_space<semaphore_mem>>
        %dma_start3A = arith.constant 9360 : i32
        %dma_start3A_46 = arith.constant 0 : i32
        %dma_start3A_47 = tpu.memref_slice %arg11[%dma_start3A, %dma_start3A_46] : memref<10000x128xf32, #tpu.memory_space<vmem_shared>> -> memref<640x128xf32, #tpu.memory_space<vmem_shared>>
        tpu.enqueue_dma source(%arg5 : memref<640x128xf32, #tpu.memory_space<hbm>>) target(%dma_start3A_47 : memref<640x128xf32, #tpu.memory_space<vmem_shared>>) target_semaphore(%run_scoped3A : memref<!tpu.dma_semaphore, #tpu.memory_space<semaphore_mem>>)
        %dma_wait3A = arith.constant 9360 : i32
        %dma_wait3A_48 = arith.constant 0 : i32
        %dma_wait3A_49 = tpu.memref_slice %arg11[%dma_wait3A, %dma_wait3A_48] : memref<10000x128xf32, #tpu.memory_space<vmem_shared>> -> memref<640x128xf32, #tpu.memory_space<vmem_shared>>
        tpu.wait_dma2 semaphore(%run_scoped3A : memref<!tpu.dma_semaphore, #tpu.memory_space<semaphore_mem>>) src(%arg5 : memref<640x128xf32, #tpu.memory_space<hbm>>) dst(%dma_wait3A_49 : memref<640x128xf32, #tpu.memory_space<vmem_shared>>)
        tpu.yield
      }) : () -> ()
    } else {
    }
    %barrier3A = arith.constant 0 : index
    tpu.barrier barrier_id(%barrier3A)
    %scan3A = arith.constant 0 : i32
    %scan3A_9 = arith.constant 0 : i32
    %scan3A_10 = arith.constant 125 : i32
    %scan3A_11 = arith.addi %scan3A_9, %scan3A_10 : i32
    %scan3A_12 = arith.constant 1 : i32
    scf.for %scan3A_46 = %scan3A_9 to %scan3A_11 step %scan3A_12  : i32 {
      %mul3A_47 = arith.constant 80 : i32
      %mul3A_48 = arith.muli %scan3A_46, %mul3A_47 : i32
      %add3A_49 = arith.addi %mul3A_2, %mul3A_48 : i32
      "tpu.region"() ({
        %run_scoped3A = tpu.sem_alloc : memref<!tpu.dma_semaphore, #tpu.memory_space<semaphore_mem>>
        %dma_start3A = tpu.memref_slice %arg3[%add3A_49] : memref<320000xi32, #tpu.memory_space<hbm>> -> memref<80xi32, #tpu.memory_space<hbm>>
        %dma_start3A_53 = tpu.memref_slice %arg3[%add3A_49] : memref<320000xi32, #tpu.memory_space<hbm>> -> memref<80xi32, #tpu.memory_space<hbm>>
        tpu.enqueue_dma source(%dma_start3A_53 : memref<80xi32, #tpu.memory_space<hbm>>) target(%arg8 : memref<80xi32, #tpu.memory_space<vmem>>) target_semaphore(%run_scoped3A : memref<!tpu.dma_semaphore, #tpu.memory_space<semaphore_mem>>)
        %dma_wait3A = tpu.memref_slice %arg3[%add3A_49] : memref<320000xi32, #tpu.memory_space<hbm>> -> memref<80xi32, #tpu.memory_space<hbm>>
        %dma_wait3A_54 = tpu.memref_slice %arg3[%add3A_49] : memref<320000xi32, #tpu.memory_space<hbm>> -> memref<80xi32, #tpu.memory_space<hbm>>
        tpu.wait_dma2 semaphore(%run_scoped3A : memref<!tpu.dma_semaphore, #tpu.memory_space<semaphore_mem>>) src(%dma_wait3A_54 : memref<80xi32, #tpu.memory_space<hbm>>) dst(%arg8 : memref<80xi32, #tpu.memory_space<vmem>>)
        tpu.yield
      }) : () -> ()
      %mul3A_50 = arith.constant 80 : i32
      %mul3A_51 = arith.muli %scan3A_46, %mul3A_50 : i32
      %add3A_52 = arith.addi %mul3A_2, %mul3A_51 : i32
      "tpu.region"() ({
        %run_scoped3A = tpu.sem_alloc : memref<!tpu.dma_semaphore, #tpu.memory_space<semaphore_mem>>
        %dma_start3A = tpu.memref_slice %arg4[%add3A_52] : memref<320000xi32, #tpu.memory_space<hbm>> -> memref<80xi32, #tpu.memory_space<hbm>>
        %dma_start3A_53 = tpu.memref_slice %arg4[%add3A_52] : memref<320000xi32, #tpu.memory_space<hbm>> -> memref<80xi32, #tpu.memory_space<hbm>>
        tpu.enqueue_dma source(%dma_start3A_53 : memref<80xi32, #tpu.memory_space<hbm>>) target(%arg9 : memref<80xi32, #tpu.memory_space<vmem>>) target_semaphore(%run_scoped3A : memref<!tpu.dma_semaphore, #tpu.memory_space<semaphore_mem>>)
        %dma_wait3A = tpu.memref_slice %arg4[%add3A_52] : memref<320000xi32, #tpu.memory_space<hbm>> -> memref<80xi32, #tpu.memory_space<hbm>>
        %dma_wait3A_54 = tpu.memref_slice %arg4[%add3A_52] : memref<320000xi32, #tpu.memory_space<hbm>> -> memref<80xi32, #tpu.memory_space<hbm>>
        tpu.wait_dma2 semaphore(%run_scoped3A : memref<!tpu.dma_semaphore, #tpu.memory_space<semaphore_mem>>) src(%dma_wait3A_54 : memref<80xi32, #tpu.memory_space<hbm>>) dst(%arg9 : memref<80xi32, #tpu.memory_space<vmem>>)
        tpu.yield
      }) : () -> ()
      "tpu.region"() ({
        %run_scoped3A = tpu.sem_alloc : memref<!tpu.dma_semaphore, #tpu.memory_space<semaphore_mem>>
        %dma_start3A = arith.constant 0 : i32
        %dma_start3A_53 = arith.constant 0 : i32
        %dma_start3A_54 = tpu.memref_slice %arg2[%dma_start3A, %dma_start3A_53] : memref<10000x128xf32, #tpu.memory_space<hbm>> -> memref<10000x128xf32, #tpu.memory_space<hbm>>
        tpu.enqueue_indirect_dma source(%dma_start3A_54 : memref<10000x128xf32, #tpu.memory_space<hbm>>) target(%arg10 : memref<80x128xf32, #tpu.memory_space<vmem>>) offsets(%arg8 : memref<80xi32, #tpu.memory_space<vmem>>) semaphore(%run_scoped3A : memref<!tpu.dma_semaphore, #tpu.memory_space<semaphore_mem>>)
        %dma_wait3A = arith.constant 0 : i32
        %dma_wait3A_55 = arith.constant 0 : i32
        %dma_wait3A_56 = tpu.memref_slice %arg2[%dma_wait3A, %dma_wait3A_55] : memref<10000x128xf32, #tpu.memory_space<hbm>> -> memref<10000x128xf32, #tpu.memory_space<hbm>>
        tpu.wait_indirect_dma semaphore(%run_scoped3A : memref<!tpu.dma_semaphore, #tpu.memory_space<semaphore_mem>>) src(%dma_wait3A_56 : memref<10000x128xf32, #tpu.memory_space<hbm>>) dst(%arg10 : memref<80x128xf32, #tpu.memory_space<vmem>>)
        tpu.yield
      }) : () -> ()
      "tpu.region"() ({
        %run_scoped3A = tpu.sem_alloc : memref<!tpu.dma_semaphore, #tpu.memory_space<semaphore_mem>>
        %dma_start3A = arith.constant 0 : i32
        %dma_start3A_53 = arith.constant 0 : i32
        %dma_start3A_54 = tpu.memref_slice %arg11[%dma_start3A, %dma_start3A_53] : memref<10000x128xf32, #tpu.memory_space<vmem_shared>> -> memref<10000x128xf32, #tpu.memory_space<vmem_shared>>
        tpu.enqueue_indirect_dma source(%arg10 : memref<80x128xf32, #tpu.memory_space<vmem>>) target(%dma_start3A_54 : memref<10000x128xf32, #tpu.memory_space<vmem_shared>>) offsets(%arg9 : memref<80xi32, #tpu.memory_space<vmem>>) semaphore(%run_scoped3A : memref<!tpu.dma_semaphore, #tpu.memory_space<semaphore_mem>>) {add = true}
        %dma_wait3A = arith.constant 0 : i32
        %dma_wait3A_55 = arith.constant 0 : i32
        %dma_wait3A_56 = tpu.memref_slice %arg11[%dma_wait3A, %dma_wait3A_55] : memref<10000x128xf32, #tpu.memory_space<vmem_shared>> -> memref<10000x128xf32, #tpu.memory_space<vmem_shared>>
        tpu.wait_indirect_dma semaphore(%run_scoped3A : memref<!tpu.dma_semaphore, #tpu.memory_space<semaphore_mem>>) src(%arg10 : memref<80x128xf32, #tpu.memory_space<vmem>>) dst(%dma_wait3A_56 : memref<10000x128xf32, #tpu.memory_space<vmem_shared>>)
        tpu.yield
      }) : () -> ()
    }
    %scan3A_13 = arith.constant 125 : i32
    %barrier3A_14 = arith.constant 0 : index
    tpu.barrier barrier_id(%barrier3A_14)
    %eq3A_15 = arith.constant 0 : i32
    %eq3A_16 = arith.cmpi eq, %arg0, %eq3A_15 : i32
    %lt3A_17 = arith.constant 15 : i32
    %lt3A_18 = arith.cmpi slt, %arg1, %lt3A_17 : i32
    %and3A = arith.andi %eq3A_16, %lt3A_18 : i1
    %convert_element_type3A_19 = arith.extui %and3A : i1 to i32
    %cond3A_20 = arith.constant 0 : i32
    %cond3A_21 = arith.cmpi ne, %convert_element_type3A_19, %cond3A_20 : i32
    scf.if %cond3A_21 {
      %mul3A_46 = arith.constant 624 : i32
      %mul3A_47 = arith.muli %arg1, %mul3A_46 : i32
      %mul3A_48 = arith.constant 624 : i32
      %mul3A_49 = arith.muli %arg1, %mul3A_48 : i32
      "tpu.region"() ({
        %run_scoped3A = tpu.sem_alloc : memref<!tpu.dma_semaphore, #tpu.memory_space<semaphore_mem>>
        %dma_start3A = arith.constant 0 : i32
        %dma_start3A_50 = tpu.memref_slice %arg6[%mul3A_49, %dma_start3A] : memref<10000x128xf32, #tpu.memory_space<hbm>> -> memref<624x128xf32, #tpu.memory_space<hbm>>
        %dma_start3A_51 = arith.constant 0 : i32
        %dma_start3A_52 = tpu.memref_slice %arg11[%mul3A_47, %dma_start3A_51] : memref<10000x128xf32, #tpu.memory_space<vmem_shared>> -> memref<624x128xf32, #tpu.memory_space<vmem_shared>>
        tpu.enqueue_dma source(%dma_start3A_52 : memref<624x128xf32, #tpu.memory_space<vmem_shared>>) target(%dma_start3A_50 : memref<624x128xf32, #tpu.memory_space<hbm>>) target_semaphore(%run_scoped3A : memref<!tpu.dma_semaphore, #tpu.memory_space<semaphore_mem>>)
        %dma_wait3A = arith.constant 0 : i32
        %dma_wait3A_53 = tpu.memref_slice %arg6[%mul3A_49, %dma_wait3A] : memref<10000x128xf32, #tpu.memory_space<hbm>> -> memref<624x128xf32, #tpu.memory_space<hbm>>
        %dma_wait3A_54 = arith.constant 0 : i32
        %dma_wait3A_55 = tpu.memref_slice %arg11[%mul3A_47, %dma_wait3A_54] : memref<10000x128xf32, #tpu.memory_space<vmem_shared>> -> memref<624x128xf32, #tpu.memory_space<vmem_shared>>
        tpu.wait_dma2 semaphore(%run_scoped3A : memref<!tpu.dma_semaphore, #tpu.memory_space<semaphore_mem>>) src(%dma_wait3A_55 : memref<624x128xf32, #tpu.memory_space<vmem_shared>>) dst(%dma_wait3A_53 : memref<624x128xf32, #tpu.memory_space<hbm>>)
        tpu.yield
      }) : () -> ()
    } else {
    }
    %eq3A_22 = arith.constant 0 : i32
    %eq3A_23 = arith.cmpi eq, %arg0, %eq3A_22 : i32
    %eq3A_24 = arith.constant 15 : i32
    %eq3A_25 = arith.cmpi eq, %arg1, %eq3A_24 : i32
    %and3A_26 = arith.andi %eq3A_23, %eq3A_25 : i1
    %convert_element_type3A_27 = arith.extui %and3A_26 : i1 to i32
    %cond3A_28 = arith.constant 0 : i32
    %cond3A_29 = arith.cmpi ne, %convert_element_type3A_27, %cond3A_28 : i32
    scf.if %cond3A_29 {
      "tpu.region"() ({
        %run_scoped3A = tpu.sem_alloc : memref<!tpu.dma_semaphore, #tpu.memory_space<semaphore_mem>>
        %dma_start3A = arith.constant 9360 : i32
        %dma_start3A_46 = arith.constant 0 : i32
        %dma_start3A_47 = tpu.memref_slice %arg6[%dma_start3A, %dma_start3A_46] : memref<10000x128xf32, #tpu.memory_space<hbm>> -> memref<640x128xf32, #tpu.memory_space<hbm>>
        %dma_start3A_48 = arith.constant 9360 : i32
        %dma_start3A_49 = arith.constant 0 : i32
        %dma_start3A_50 = tpu.memref_slice %arg11[%dma_start3A_48, %dma_start3A_49] : memref<10000x128xf32, #tpu.memory_space<vmem_shared>> -> memref<640x128xf32, #tpu.memory_space<vmem_shared>>
        tpu.enqueue_dma source(%dma_start3A_50 : memref<640x128xf32, #tpu.memory_space<vmem_shared>>) target(%dma_start3A_47 : memref<640x128xf32, #tpu.memory_space<hbm>>) target_semaphore(%run_scoped3A : memref<!tpu.dma_semaphore, #tpu.memory_space<semaphore_mem>>)
        %dma_wait3A = arith.constant 9360 : i32
        %dma_wait3A_51 = arith.constant 0 : i32
        %dma_wait3A_52 = tpu.memref_slice %arg6[%dma_wait3A, %dma_wait3A_51] : memref<10000x128xf32, #tpu.memory_space<hbm>> -> memref<640x128xf32, #tpu.memory_space<hbm>>
        %dma_wait3A_53 = arith.constant 9360 : i32
        %dma_wait3A_54 = arith.constant 0 : i32
        %dma_wait3A_55 = tpu.memref_slice %arg11[%dma_wait3A_53, %dma_wait3A_54] : memref<10000x128xf32, #tpu.memory_space<vmem_shared>> -> memref<640x128xf32, #tpu.memory_space<vmem_shared>>
        tpu.wait_dma2 semaphore(%run_scoped3A : memref<!tpu.dma_semaphore, #tpu.memory_space<semaphore_mem>>) src(%dma_wait3A_55 : memref<640x128xf32, #tpu.memory_space<vmem_shared>>) dst(%dma_wait3A_52 : memref<640x128xf32, #tpu.memory_space<hbm>>)
        tpu.yield
      }) : () -> ()
    } else {
    }
    %eq3A_30 = arith.constant 1 : i32
    %eq3A_31 = arith.cmpi eq, %arg0, %eq3A_30 : i32
    %lt3A_32 = arith.constant 15 : i32
    %lt3A_33 = arith.cmpi slt, %arg1, %lt3A_32 : i32
    %and3A_34 = arith.andi %eq3A_31, %lt3A_33 : i1
    %convert_element_type3A_35 = arith.extui %and3A_34 : i1 to i32
    %cond3A_36 = arith.constant 0 : i32
    %cond3A_37 = arith.cmpi ne, %convert_element_type3A_35, %cond3A_36 : i32
    scf.if %cond3A_37 {
      %mul3A_46 = arith.constant 624 : i32
      %mul3A_47 = arith.muli %arg1, %mul3A_46 : i32
      %mul3A_48 = arith.constant 624 : i32
      %mul3A_49 = arith.muli %arg1, %mul3A_48 : i32
      "tpu.region"() ({
        %run_scoped3A = tpu.sem_alloc : memref<!tpu.dma_semaphore, #tpu.memory_space<semaphore_mem>>
        %dma_start3A = arith.constant 0 : i32
        %dma_start3A_50 = tpu.memref_slice %arg7[%mul3A_49, %dma_start3A] : memref<10000x128xf32, #tpu.memory_space<hbm>> -> memref<624x128xf32, #tpu.memory_space<hbm>>
        %dma_start3A_51 = arith.constant 0 : i32
        %dma_start3A_52 = tpu.memref_slice %arg11[%mul3A_47, %dma_start3A_51] : memref<10000x128xf32, #tpu.memory_space<vmem_shared>> -> memref<624x128xf32, #tpu.memory_space<vmem_shared>>
        tpu.enqueue_dma source(%dma_start3A_52 : memref<624x128xf32, #tpu.memory_space<vmem_shared>>) target(%dma_start3A_50 : memref<624x128xf32, #tpu.memory_space<hbm>>) target_semaphore(%run_scoped3A : memref<!tpu.dma_semaphore, #tpu.memory_space<semaphore_mem>>)
        %dma_wait3A = arith.constant 0 : i32
        %dma_wait3A_53 = tpu.memref_slice %arg7[%mul3A_49, %dma_wait3A] : memref<10000x128xf32, #tpu.memory_space<hbm>> -> memref<624x128xf32, #tpu.memory_space<hbm>>
        %dma_wait3A_54 = arith.constant 0 : i32
        %dma_wait3A_55 = tpu.memref_slice %arg11[%mul3A_47, %dma_wait3A_54] : memref<10000x128xf32, #tpu.memory_space<vmem_shared>> -> memref<624x128xf32, #tpu.memory_space<vmem_shared>>
        tpu.wait_dma2 semaphore(%run_scoped3A : memref<!tpu.dma_semaphore, #tpu.memory_space<semaphore_mem>>) src(%dma_wait3A_55 : memref<624x128xf32, #tpu.memory_space<vmem_shared>>) dst(%dma_wait3A_53 : memref<624x128xf32, #tpu.memory_space<hbm>>)
        tpu.yield
      }) : () -> ()
    } else {
    }
    %eq3A_38 = arith.constant 1 : i32
    %eq3A_39 = arith.cmpi eq, %arg0, %eq3A_38 : i32
    %eq3A_40 = arith.constant 15 : i32
    %eq3A_41 = arith.cmpi eq, %arg1, %eq3A_40 : i32
    %and3A_42 = arith.andi %eq3A_39, %eq3A_41 : i1
    %convert_element_type3A_43 = arith.extui %and3A_42 : i1 to i32
    %cond3A_44 = arith.constant 0 : i32
    %cond3A_45 = arith.cmpi ne, %convert_element_type3A_43, %cond3A_44 : i32
    scf.if %cond3A_45 {
      "tpu.region"() ({
        %run_scoped3A = tpu.sem_alloc : memref<!tpu.dma_semaphore, #tpu.memory_space<semaphore_mem>>
        %dma_start3A = arith.constant 9360 : i32
        %dma_start3A_46 = arith.constant 0 : i32
        %dma_start3A_47 = tpu.memref_slice %arg7[%dma_start3A, %dma_start3A_46] : memref<10000x128xf32, #tpu.memory_space<hbm>> -> memref<640x128xf32, #tpu.memory_space<hbm>>
        %dma_start3A_48 = arith.constant 9360 : i32
        %dma_start3A_49 = arith.constant 0 : i32
        %dma_start3A_50 = tpu.memref_slice %arg11[%dma_start3A_48, %dma_start3A_49] : memref<10000x128xf32, #tpu.memory_space<vmem_shared>> -> memref<640x128xf32, #tpu.memory_space<vmem_shared>>
        tpu.enqueue_dma source(%dma_start3A_50 : memref<640x128xf32, #tpu.memory_space<vmem_shared>>) target(%dma_start3A_47 : memref<640x128xf32, #tpu.memory_space<hbm>>) target_semaphore(%run_scoped3A : memref<!tpu.dma_semaphore, #tpu.memory_space<semaphore_mem>>)
        %dma_wait3A = arith.constant 9360 : i32
        %dma_wait3A_51 = arith.constant 0 : i32
        %dma_wait3A_52 = tpu.memref_slice %arg7[%dma_wait3A, %dma_wait3A_51] : memref<10000x128xf32, #tpu.memory_space<hbm>> -> memref<640x128xf32, #tpu.memory_space<hbm>>
        %dma_wait3A_53 = arith.constant 9360 : i32
        %dma_wait3A_54 = arith.constant 0 : i32
        %dma_wait3A_55 = tpu.memref_slice %arg11[%dma_wait3A_53, %dma_wait3A_54] : memref<10000x128xf32, #tpu.memory_space<vmem_shared>> -> memref<640x128xf32, #tpu.memory_space<vmem_shared>>
        tpu.wait_dma2 semaphore(%run_scoped3A : memref<!tpu.dma_semaphore, #tpu.memory_space<semaphore_mem>>) src(%dma_wait3A_55 : memref<640x128xf32, #tpu.memory_space<vmem_shared>>) dst(%dma_wait3A_52 : memref<640x128xf32, #tpu.memory_space<hbm>>)
        tpu.yield
      }) : () -> ()
    } else {
    }
    return
  }
}

module attributes {stable_mosaic.version = 14 : i64} {
  func.func @body(%arg0: i32, %arg1: memref<1x1x1000xi32, #tpu.memory_space<vmem>>, %arg2: memref<1000x16xf32, #tpu.memory_space<vmem>>, %arg3: memref<1000x16xf32, #tpu.memory_space<vmem>>, %arg4: memref<128x128xf32, #tpu.memory_space<vmem>>, %arg5: memref<128x128xf32, #tpu.memory_space<vmem>>, %arg6: memref<1000x128xf32, #tpu.memory_space<vmem>>, %arg7: memref<1000x128xf32, #tpu.memory_space<vmem>>, %arg8: memref<1000x1xf32, #tpu.memory_space<vmem>>) attributes {dimension_semantics = [#tpu.dimension_semantics<arbitrary>], iteration_bounds = array<i64: 10>, scalar_prefetch = 0 : i64, scratch_operands = 0 : i64, tpu.core_type = #tpu.core_type<tc>, window_params = [{transform_indices = @transform_0, window_bounds = array<i64: 1, 1, 1000>}, {transform_indices = @transform_1, window_bounds = array<i64: 1000, 16>}, {transform_indices = @transform_2, window_bounds = array<i64: 1000, 16>}, {pipeline_mode = #tpu.pipeline_mode<synchronous>, transform_indices = @transform_3, window_bounds = array<i64: 128, 128>}, {pipeline_mode = #tpu.pipeline_mode<synchronous>, transform_indices = @transform_4, window_bounds = array<i64: 128, 128>}, {transform_indices = @transform_5, window_bounds = array<i64: 1000, 128>}, {transform_indices = @transform_6, window_bounds = array<i64: 1000, 128>}, {transform_indices = @transform_7, window_bounds = array<i64: 1000, 1>}]} {
    %get3A = arith.constant 0 : index
    %get3A_0 = arith.constant 0 : index
    %get3A_1 = arith.constant 0 : index
    %get3A_2 = vector.load %arg1[%get3A, %get3A_0, %get3A_1] : memref<1x1x1000xi32, #tpu.memory_space<vmem>>, vector<1x1x1000xi32>
    %get3A_3 = vector.shape_cast %get3A_2 : vector<1x1x1000xi32> to vector<1000xi32>
    %reshape3A = vector.shape_cast %get3A_3 : vector<1000xi32> to vector<1000x1xi32>
    %iota3A = tpu.iota {dimensions = array<i32: 1>} : vector<1000x128xi32>
    %eq3A = vector.broadcast %reshape3A : vector<1000x1xi32> to vector<1000x128xi32>
    %eq3A_4 = arith.cmpi eq, %eq3A, %iota3A : vector<1000x128xi32>
    %convert_element_type3A = arith.extui %eq3A_4 : vector<1000x128xi1> to vector<1000x128xi32>
    %convert_element_type3A_5 = arith.sitofp %convert_element_type3A : vector<1000x128xi32> to vector<1000x128xf32>
    %get3A_6 = arith.constant 0 : index
    %get3A_7 = arith.constant 0 : index
    %get3A_8 = vector.load %arg4[%get3A_6, %get3A_7] : memref<128x128xf32, #tpu.memory_space<vmem>>, vector<128x128xf32>
    %dot_general3A = arith.constant dense<0.000000e+00> : vector<1000x128xf32>
    %dot_general3A_9 = tpu.matmul %convert_element_type3A_5, %get3A_8, %dot_general3A {dimension_numbers = #tpu.dot_dimension_numbers<[1], [0], [0], [1], [0, 0, 1, 1], [], []>, transpose_lhs_hint = false} : vector<1000x128xf32>, vector<128x128xf32>, vector<1000x128xf32> -> vector<1000x128xf32>
    %get3A_10 = arith.constant 0 : index
    %get3A_11 = arith.constant 0 : index
    %get3A_12 = vector.load %arg2[%get3A_10, %get3A_11] : memref<1000x16xf32, #tpu.memory_space<vmem>>, vector<1000x1xf32>
    %get3A_13 = arith.constant 0 : index
    %get3A_14 = arith.constant 0 : index
    %get3A_15 = vector.load %arg3[%get3A_13, %get3A_14] : memref<1000x16xf32, #tpu.memory_space<vmem>>, vector<1000x1xf32>
    %add3A = arith.addf %get3A_12, %get3A_15 : vector<1000x1xf32>
    %add3A_16 = arith.constant 1.000000e+00 : f32
    %add3A_17 = vector.broadcast %add3A_16 : f32 to vector<1000x1xf32>
    %add3A_18 = arith.addf %add3A, %add3A_17 : vector<1000x1xf32>
    %rsqrt3A = math.rsqrt %add3A_18 : vector<1000x1xf32>
    %get3A_19 = arith.constant 0 : index
    %get3A_20 = arith.constant 0 : index
    %get3A_21 = vector.load %arg5[%get3A_19, %get3A_20] : memref<128x128xf32, #tpu.memory_space<vmem>>, vector<128x128xf32>
    %dot_general3A_22 = arith.constant dense<0.000000e+00> : vector<1000x128xf32>
    %dot_general3A_23 = tpu.matmul %dot_general3A_9, %get3A_21, %dot_general3A_22 {dimension_numbers = #tpu.dot_dimension_numbers<[1], [0], [0], [1], [0, 0, 1, 1], [], []>, transpose_lhs_hint = false} : vector<1000x128xf32>, vector<128x128xf32>, vector<1000x128xf32> -> vector<1000x128xf32>
    %mul3A = vector.broadcast %rsqrt3A : vector<1000x1xf32> to vector<1000x128xf32>
    %mul3A_24 = arith.mulf %dot_general3A_23, %mul3A : vector<1000x128xf32>
    %swap3A = arith.constant 0 : index
    %swap3A_25 = arith.constant 0 : index
    %swap3A_26 = vector.load %arg6[%swap3A, %swap3A_25] : memref<1000x128xf32, #tpu.memory_space<vmem>>, vector<1000x128xf32>
    tpu.vector_store %arg6[%swap3A, %swap3A_25], %dot_general3A_9 {strides = array<i32>} : memref<1000x128xf32, #tpu.memory_space<vmem>>, vector<1000x128xf32>,
    %swap3A_27 = arith.constant 0 : index
    %swap3A_28 = arith.constant 0 : index
    %swap3A_29 = vector.load %arg7[%swap3A_27, %swap3A_28] : memref<1000x128xf32, #tpu.memory_space<vmem>>, vector<1000x128xf32>
    tpu.vector_store %arg7[%swap3A_27, %swap3A_28], %mul3A_24 {strides = array<i32>} : memref<1000x128xf32, #tpu.memory_space<vmem>>, vector<1000x128xf32>,
    %swap3A_30 = arith.constant 0 : index
    %swap3A_31 = arith.constant 0 : index
    %swap3A_32 = vector.load %arg8[%swap3A_30, %swap3A_31] : memref<1000x1xf32, #tpu.memory_space<vmem>>, vector<1000x1xf32>
    tpu.vector_store %arg8[%swap3A_30, %swap3A_31], %rsqrt3A {strides = array<i32>} : memref<1000x1xf32, #tpu.memory_space<vmem>>, vector<1000x1xf32>,
    return
  }
  func.func @transform_0(%arg0: i32) -> (i32, i32, i32) {
    %c0_i32 = arith.constant 0 : i32
    %c0_i32_0 = arith.constant 0 : i32
    %c0_i32_1 = arith.constant 0 : i32
    return %arg0, %c0_i32, %c0_i32_0 : i32, i32, i32
  }
  func.func @transform_1(%arg0: i32) -> (i32, i32) {
    %c0_i32 = arith.constant 0 : i32
    %c0_i32_0 = arith.constant 0 : i32
    return %arg0, %c0_i32 : i32, i32
  }
  func.func @transform_2(%arg0: i32) -> (i32, i32) {
    %c0_i32 = arith.constant 0 : i32
    %c0_i32_0 = arith.constant 0 : i32
    return %arg0, %c0_i32 : i32, i32
  }
  func.func @transform_3(%arg0: i32) -> (i32, i32) {
    %c0_i32 = arith.constant 0 : i32
    %c0_i32_0 = arith.constant 0 : i32
    %c0_i32_1 = arith.constant 0 : i32
    return %c0_i32, %c0_i32_0 : i32, i32
  }
  func.func @transform_4(%arg0: i32) -> (i32, i32) {
    %c0_i32 = arith.constant 0 : i32
    %c0_i32_0 = arith.constant 0 : i32
    %c0_i32_1 = arith.constant 0 : i32
    return %c0_i32, %c0_i32_0 : i32, i32
  }
  func.func @transform_5(%arg0: i32) -> (i32, i32) {
    %c0_i32 = arith.constant 0 : i32
    %c0_i32_0 = arith.constant 0 : i32
    return %arg0, %c0_i32 : i32, i32
  }
  func.func @transform_6(%arg0: i32) -> (i32, i32) {
    %c0_i32 = arith.constant 0 : i32
    %c0_i32_0 = arith.constant 0 : i32
    return %arg0, %c0_i32 : i32, i32
  }
  func.func @transform_7(%arg0: i32) -> (i32, i32) {
    %c0_i32 = arith.constant 0 : i32
    %c0_i32_0 = arith.constant 0 : i32
    return %arg0, %c0_i32 : i32, i32
  }
}

module attributes {stable_mosaic.version = 14 : i64} {
  func.func @body(%arg0: i32, %arg1: memref<1000x128xf32, #tpu.memory_space<vmem>>, %arg2: memref<1000x128xf32, #tpu.memory_space<vmem>>, %arg3: memref<1000x128xf32, #tpu.memory_space<vmem>>, %arg4: memref<1000x128xf32, #tpu.memory_space<vmem>>, %arg5: memref<1000x1xf32, #tpu.memory_space<vmem>>, %arg6: memref<1x128xf32, #tpu.memory_space<vmem>>, %arg7: memref<128x128xf32, #tpu.memory_space<vmem>>, %arg8: memref<1000x128xf32, #tpu.memory_space<vmem>>, %arg9: memref<1000x128xf32, #tpu.memory_space<vmem>>) attributes {dimension_semantics = [#tpu.dimension_semantics<arbitrary>], iteration_bounds = array<i64: 10>, scalar_prefetch = 0 : i64, scratch_operands = 0 : i64, tpu.core_type = #tpu.core_type<tc>, window_params = [{transform_indices = @transform_0, window_bounds = array<i64: 1000, 128>}, {transform_indices = @transform_1, window_bounds = array<i64: 1000, 128>}, {transform_indices = @transform_2, window_bounds = array<i64: 1000, 128>}, {transform_indices = @transform_3, window_bounds = array<i64: 1000, 128>}, {transform_indices = @transform_4, window_bounds = array<i64: 1000, 1>}, {pipeline_mode = #tpu.pipeline_mode<synchronous>, transform_indices = @transform_5, window_bounds = array<i64: 1, 128>}, {pipeline_mode = #tpu.pipeline_mode<synchronous>, transform_indices = @transform_6, window_bounds = array<i64: 128, 128>}, {transform_indices = @transform_7, window_bounds = array<i64: 1000, 128>}, {transform_indices = @transform_8, window_bounds = array<i64: 1000, 128>}]} {
    %get3A = arith.constant 0 : index
    %get3A_0 = arith.constant 0 : index
    %get3A_1 = vector.load %arg5[%get3A, %get3A_0] : memref<1000x1xf32, #tpu.memory_space<vmem>>, vector<1000x1xf32>
    %get3A_2 = arith.constant 0 : index
    %get3A_3 = arith.constant 0 : index
    %get3A_4 = vector.load %arg3[%get3A_2, %get3A_3] : memref<1000x128xf32, #tpu.memory_space<vmem>>, vector<1000x128xf32>
    %get3A_5 = arith.constant 0 : index
    %get3A_6 = arith.constant 0 : index
    %get3A_7 = vector.load %arg4[%get3A_5, %get3A_6] : memref<1000x128xf32, #tpu.memory_space<vmem>>, vector<1000x128xf32>
    %add3A = arith.addf %get3A_4, %get3A_7 : vector<1000x128xf32>
    %get3A_8 = arith.constant 0 : index
    %get3A_9 = arith.constant 0 : index
    %get3A_10 = vector.load %arg2[%get3A_8, %get3A_9] : memref<1000x128xf32, #tpu.memory_space<vmem>>, vector<1000x128xf32>
    %add3A_11 = arith.addf %add3A, %get3A_10 : vector<1000x128xf32>
    %mul3A = vector.broadcast %get3A_1 : vector<1000x1xf32> to vector<1000x128xf32>
    %mul3A_12 = arith.mulf %mul3A, %add3A_11 : vector<1000x128xf32>
    %get3A_13 = arith.constant 0 : index
    %get3A_14 = arith.constant 0 : index
    %get3A_15 = vector.load %arg6[%get3A_13, %get3A_14] : memref<1x128xf32, #tpu.memory_space<vmem>>, vector<1x128xf32>
    %add3A_16 = vector.broadcast %get3A_15 : vector<1x128xf32> to vector<1000x128xf32>
    %add3A_17 = arith.addf %mul3A_12, %add3A_16 : vector<1000x128xf32>
    %get3A_18 = arith.constant 0 : index
    %get3A_19 = arith.constant 0 : index
    %get3A_20 = vector.load %arg1[%get3A_18, %get3A_19] : memref<1000x128xf32, #tpu.memory_space<vmem>>, vector<1000x128xf32>
    %add3A_21 = arith.addf %get3A_20, %add3A_17 : vector<1000x128xf32>
    %max3A = arith.constant 0.000000e+00 : f32
    %max3A_22 = vector.broadcast %max3A : f32 to vector<1000x128xf32>
    %max3A_23 = arith.maximumf %add3A_21, %max3A_22 : vector<1000x128xf32>
    %get3A_24 = arith.constant 0 : index
    %get3A_25 = arith.constant 0 : index
    %get3A_26 = vector.load %arg7[%get3A_24, %get3A_25] : memref<128x128xf32, #tpu.memory_space<vmem>>, vector<128x128xf32>
    %dot_general3A = arith.constant dense<0.000000e+00> : vector<1000x128xf32>
    %dot_general3A_27 = tpu.matmul %max3A_23, %get3A_26, %dot_general3A {dimension_numbers = #tpu.dot_dimension_numbers<[1], [0], [0], [1], [0, 0, 1, 1], [], []>, transpose_lhs_hint = false} : vector<1000x128xf32>, vector<128x128xf32>, vector<1000x128xf32> -> vector<1000x128xf32>
    %mul3A_28 = vector.broadcast %get3A_1 : vector<1000x1xf32> to vector<1000x128xf32>
    %mul3A_29 = arith.mulf %dot_general3A_27, %mul3A_28 : vector<1000x128xf32>
    %swap3A = arith.constant 0 : index
    %swap3A_30 = arith.constant 0 : index
    %swap3A_31 = vector.load %arg8[%swap3A, %swap3A_30] : memref<1000x128xf32, #tpu.memory_space<vmem>>, vector<1000x128xf32>
    tpu.vector_store %arg8[%swap3A, %swap3A_30], %max3A_23 {strides = array<i32>} : memref<1000x128xf32, #tpu.memory_space<vmem>>, vector<1000x128xf32>,
    %swap3A_32 = arith.constant 0 : index
    %swap3A_33 = arith.constant 0 : index
    %swap3A_34 = vector.load %arg9[%swap3A_32, %swap3A_33] : memref<1000x128xf32, #tpu.memory_space<vmem>>, vector<1000x128xf32>
    tpu.vector_store %arg9[%swap3A_32, %swap3A_33], %mul3A_29 {strides = array<i32>} : memref<1000x128xf32, #tpu.memory_space<vmem>>, vector<1000x128xf32>,
    return
  }
  func.func @transform_0(%arg0: i32) -> (i32, i32) {
    %c0_i32 = arith.constant 0 : i32
    %c0_i32_0 = arith.constant 0 : i32
    return %arg0, %c0_i32 : i32, i32
  }
  func.func @transform_1(%arg0: i32) -> (i32, i32) {
    %c0_i32 = arith.constant 0 : i32
    %c0_i32_0 = arith.constant 0 : i32
    return %arg0, %c0_i32 : i32, i32
  }
  func.func @transform_2(%arg0: i32) -> (i32, i32) {
    %c0_i32 = arith.constant 0 : i32
    %c0_i32_0 = arith.constant 0 : i32
    return %arg0, %c0_i32 : i32, i32
  }
  func.func @transform_3(%arg0: i32) -> (i32, i32) {
    %c0_i32 = arith.constant 0 : i32
    %c0_i32_0 = arith.constant 0 : i32
    return %arg0, %c0_i32 : i32, i32
  }
  func.func @transform_4(%arg0: i32) -> (i32, i32) {
    %c0_i32 = arith.constant 0 : i32
    %c0_i32_0 = arith.constant 0 : i32
    return %arg0, %c0_i32 : i32, i32
  }
  func.func @transform_5(%arg0: i32) -> (i32, i32) {
    %c0_i32 = arith.constant 0 : i32
    %c0_i32_0 = arith.constant 0 : i32
    %c0_i32_1 = arith.constant 0 : i32
    return %c0_i32, %c0_i32_0 : i32, i32
  }
  func.func @transform_6(%arg0: i32) -> (i32, i32) {
    %c0_i32 = arith.constant 0 : i32
    %c0_i32_0 = arith.constant 0 : i32
    %c0_i32_1 = arith.constant 0 : i32
    return %c0_i32, %c0_i32_0 : i32, i32
  }
  func.func @transform_7(%arg0: i32) -> (i32, i32) {
    %c0_i32 = arith.constant 0 : i32
    %c0_i32_0 = arith.constant 0 : i32
    return %arg0, %c0_i32 : i32, i32
  }
  func.func @transform_8(%arg0: i32) -> (i32, i32) {
    %c0_i32 = arith.constant 0 : i32
    %c0_i32_0 = arith.constant 0 : i32
    return %arg0, %c0_i32 : i32, i32
  }
}

module attributes {stable_mosaic.version = 14 : i64} {
  func.func @body(%arg0: i32, %arg1: memref<1000x128xf32, #tpu.memory_space<vmem>>, %arg2: memref<1000x128xf32, #tpu.memory_space<vmem>>, %arg3: memref<1000x128xf32, #tpu.memory_space<vmem>>, %arg4: memref<1000x128xf32, #tpu.memory_space<vmem>>, %arg5: memref<1000x1xf32, #tpu.memory_space<vmem>>, %arg6: memref<1x128xf32, #tpu.memory_space<vmem>>, %arg7: memref<1x1x1000xi32, #tpu.memory_space<vmem>>, %arg8: memref<128x1xf32, #tpu.memory_space<vmem>>, %arg9: memref<1x1xf32, #tpu.memory_space<vmem>>, %arg10: memref<64x1xf32, #tpu.memory_space<vmem>>, %arg11: memref<64x128xf32, #tpu.memory_space<vmem>>, %arg12: memref<64x128xf32, #tpu.memory_space<vmem>>) attributes {dimension_semantics = [#tpu.dimension_semantics<arbitrary>], iteration_bounds = array<i64: 10>, scalar_prefetch = 0 : i64, scratch_operands = 2 : i64, tpu.core_type = #tpu.core_type<tc>, window_params = [{transform_indices = @transform_0, window_bounds = array<i64: 1000, 128>}, {transform_indices = @transform_1, window_bounds = array<i64: 1000, 128>}, {transform_indices = @transform_2, window_bounds = array<i64: 1000, 128>}, {transform_indices = @transform_3, window_bounds = array<i64: 1000, 128>}, {transform_indices = @transform_4, window_bounds = array<i64: 1000, 1>}, {pipeline_mode = #tpu.pipeline_mode<synchronous>, transform_indices = @transform_5, window_bounds = array<i64: 1, 128>}, {transform_indices = @transform_6, window_bounds = array<i64: 1, 1, 1000>}, {pipeline_mode = #tpu.pipeline_mode<synchronous>, transform_indices = @transform_7, window_bounds = array<i64: 128, 1>}, {pipeline_mode = #tpu.pipeline_mode<synchronous>, transform_indices = @transform_8, window_bounds = array<i64: 1, 1>}, {pipeline_mode = #tpu.pipeline_mode<synchronous>, transform_indices = @transform_9, window_bounds = array<i64: 64, 1>}]} {
    %get3A = arith.constant 0 : index
    %get3A_0 = arith.constant 0 : index
    %get3A_1 = vector.load %arg5[%get3A, %get3A_0] : memref<1000x1xf32, #tpu.memory_space<vmem>>, vector<1000x1xf32>
    %get3A_2 = arith.constant 0 : index
    %get3A_3 = arith.constant 0 : index
    %get3A_4 = vector.load %arg3[%get3A_2, %get3A_3] : memref<1000x128xf32, #tpu.memory_space<vmem>>, vector<1000x128xf32>
    %get3A_5 = arith.constant 0 : index
    %get3A_6 = arith.constant 0 : index
    %get3A_7 = vector.load %arg4[%get3A_5, %get3A_6] : memref<1000x128xf32, #tpu.memory_space<vmem>>, vector<1000x128xf32>
    %add3A = arith.addf %get3A_4, %get3A_7 : vector<1000x128xf32>
    %get3A_8 = arith.constant 0 : index
    %get3A_9 = arith.constant 0 : index
    %get3A_10 = vector.load %arg2[%get3A_8, %get3A_9] : memref<1000x128xf32, #tpu.memory_space<vmem>>, vector<1000x128xf32>
    %add3A_11 = arith.addf %add3A, %get3A_10 : vector<1000x128xf32>
    %mul3A = vector.broadcast %get3A_1 : vector<1000x1xf32> to vector<1000x128xf32>
    %mul3A_12 = arith.mulf %mul3A, %add3A_11 : vector<1000x128xf32>
    %get3A_13 = arith.constant 0 : index
    %get3A_14 = arith.constant 0 : index
    %get3A_15 = vector.load %arg6[%get3A_13, %get3A_14] : memref<1x128xf32, #tpu.memory_space<vmem>>, vector<1x128xf32>
    %add3A_16 = vector.broadcast %get3A_15 : vector<1x128xf32> to vector<1000x128xf32>
    %add3A_17 = arith.addf %mul3A_12, %add3A_16 : vector<1000x128xf32>
    %get3A_18 = arith.constant 0 : index
    %get3A_19 = arith.constant 0 : index
    %get3A_20 = vector.load %arg1[%get3A_18, %get3A_19] : memref<1000x128xf32, #tpu.memory_space<vmem>>, vector<1000x128xf32>
    %add3A_21 = arith.addf %get3A_20, %add3A_17 : vector<1000x128xf32>
    %max3A = arith.constant 0.000000e+00 : f32
    %max3A_22 = vector.broadcast %max3A : f32 to vector<1000x128xf32>
    %max3A_23 = arith.maximumf %add3A_21, %max3A_22 : vector<1000x128xf32>
    %get3A_24 = arith.constant 0 : index
    %get3A_25 = arith.constant 0 : index
    %get3A_26 = arith.constant 0 : index
    %get3A_27 = vector.load %arg7[%get3A_24, %get3A_25, %get3A_26] : memref<1x1x1000xi32, #tpu.memory_space<vmem>>, vector<1x1x1000xi32>
    %get3A_28 = vector.shape_cast %get3A_27 : vector<1x1x1000xi32> to vector<1000xi32>
    %reshape3A = vector.shape_cast %get3A_28 : vector<1000xi32> to vector<1000x1xi32>
    %iota3A = tpu.iota {dimensions = array<i32: 1>} : vector<1000x64xi32>
    %eq3A = vector.broadcast %reshape3A : vector<1000x1xi32> to vector<1000x64xi32>
    %eq3A_29 = arith.cmpi eq, %eq3A, %iota3A : vector<1000x64xi32>
    %convert_element_type3A = arith.extui %eq3A_29 : vector<1000x64xi1> to vector<1000x64xi32>
    %convert_element_type3A_30 = arith.sitofp %convert_element_type3A : vector<1000x64xi32> to vector<1000x64xf32>
    %dot_general3A = arith.constant dense<0.000000e+00> : vector<64x128xf32>
    %dot_general3A_31 = tpu.matmul %convert_element_type3A_30, %max3A_23, %dot_general3A {dimension_numbers = #tpu.dot_dimension_numbers<[0], [0], [1], [1], [0, 1, 1, 1], [], []>, transpose_lhs_hint = false} : vector<1000x64xf32>, vector<1000x128xf32>, vector<64x128xf32> -> vector<64x128xf32>
    %broadcast_in_dim3A = arith.constant 1.000000e+00 : f32
    %broadcast_in_dim3A_32 = vector.broadcast %broadcast_in_dim3A : f32 to vector<1000x128xf32>
    %dot_general3A_33 = arith.constant dense<0.000000e+00> : vector<64x128xf32>
    %dot_general3A_34 = tpu.matmul %convert_element_type3A_30, %broadcast_in_dim3A_32, %dot_general3A_33 {dimension_numbers = #tpu.dot_dimension_numbers<[0], [0], [1], [1], [0, 1, 1, 1], [], []>, transpose_lhs_hint = false} : vector<1000x64xf32>, vector<1000x128xf32>, vector<64x128xf32> -> vector<64x128xf32>
    %eq3A_35 = arith.constant 0 : i32
    %eq3A_36 = arith.cmpi eq, %arg0, %eq3A_35 : i32
    %convert_element_type3A_37 = arith.extui %eq3A_36 : i1 to i32
    %cond3A = arith.constant 0 : i32
    %cond3A_38 = arith.cmpi ne, %convert_element_type3A_37, %cond3A : i32
    scf.if %cond3A_38 {
      %broadcast_in_dim3A_57 = arith.constant 0.000000e+00 : f32
      %broadcast_in_dim3A_58 = vector.broadcast %broadcast_in_dim3A_57 : f32 to vector<64x128xf32>
      %swap3A_59 = arith.constant 0 : index
      %swap3A_60 = arith.constant 0 : index
      %swap3A_61 = vector.load %arg11[%swap3A_59, %swap3A_60] : memref<64x128xf32, #tpu.memory_space<vmem>>, vector<64x128xf32>
      tpu.vector_store %arg11[%swap3A_59, %swap3A_60], %broadcast_in_dim3A_58 {strides = array<i32>} : memref<64x128xf32, #tpu.memory_space<vmem>>, vector<64x128xf32>,
      %broadcast_in_dim3A_62 = arith.constant 0.000000e+00 : f32
      %broadcast_in_dim3A_63 = vector.broadcast %broadcast_in_dim3A_62 : f32 to vector<64x128xf32>
      %swap3A_64 = arith.constant 0 : index
      %swap3A_65 = arith.constant 0 : index
      %swap3A_66 = vector.load %arg12[%swap3A_64, %swap3A_65] : memref<64x128xf32, #tpu.memory_space<vmem>>, vector<64x128xf32>
      tpu.vector_store %arg12[%swap3A_64, %swap3A_65], %broadcast_in_dim3A_63 {strides = array<i32>} : memref<64x128xf32, #tpu.memory_space<vmem>>, vector<64x128xf32>,
    } else {
    }
    %get3A_39 = arith.constant 0 : index
    %get3A_40 = arith.constant 0 : index
    %get3A_41 = vector.load %arg11[%get3A_39, %get3A_40] : memref<64x128xf32, #tpu.memory_space<vmem>>, vector<64x128xf32>
    %add3A_42 = arith.addf %get3A_41, %dot_general3A_31 : vector<64x128xf32>
    %swap3A = arith.constant 0 : index
    %swap3A_43 = arith.constant 0 : index
    %swap3A_44 = vector.load %arg11[%swap3A, %swap3A_43] : memref<64x128xf32, #tpu.memory_space<vmem>>, vector<64x128xf32>
    tpu.vector_store %arg11[%swap3A, %swap3A_43], %add3A_42 {strides = array<i32>} : memref<64x128xf32, #tpu.memory_space<vmem>>, vector<64x128xf32>,
    %get3A_45 = arith.constant 0 : index
    %get3A_46 = arith.constant 0 : index
    %get3A_47 = vector.load %arg12[%get3A_45, %get3A_46] : memref<64x128xf32, #tpu.memory_space<vmem>>, vector<64x128xf32>
    %add3A_48 = arith.addf %get3A_47, %dot_general3A_34 : vector<64x128xf32>
    %swap3A_49 = arith.constant 0 : index
    %swap3A_50 = arith.constant 0 : index
    %swap3A_51 = vector.load %arg12[%swap3A_49, %swap3A_50] : memref<64x128xf32, #tpu.memory_space<vmem>>, vector<64x128xf32>
    tpu.vector_store %arg12[%swap3A_49, %swap3A_50], %add3A_48 {strides = array<i32>} : memref<64x128xf32, #tpu.memory_space<vmem>>, vector<64x128xf32>,
    %eq3A_52 = arith.constant 9 : i32
    %eq3A_53 = arith.cmpi eq, %arg0, %eq3A_52 : i32
    %convert_element_type3A_54 = arith.extui %eq3A_53 : i1 to i32
    %cond3A_55 = arith.constant 0 : i32
    %cond3A_56 = arith.cmpi ne, %convert_element_type3A_54, %cond3A_55 : i32
    scf.if %cond3A_56 {
      %get3A_57 = arith.constant 0 : index
      %get3A_58 = arith.constant 0 : index
      %get3A_59 = vector.load %arg11[%get3A_57, %get3A_58] : memref<64x128xf32, #tpu.memory_space<vmem>>, vector<64x128xf32>
      %get3A_60 = arith.constant 0 : index
      %get3A_61 = arith.constant 0 : index
      %get3A_62 = vector.load %arg12[%get3A_60, %get3A_61] : memref<64x128xf32, #tpu.memory_space<vmem>>, vector<64x128xf32>
      %max3A_63 = arith.constant 1.000000e+00 : f32
      %max3A_64 = vector.broadcast %max3A_63 : f32 to vector<64x128xf32>
      %max3A_65 = arith.maximumf %get3A_62, %max3A_64 : vector<64x128xf32>
      %div3A = arith.divf %get3A_59, %max3A_65 : vector<64x128xf32>
      %get3A_66 = arith.constant 0 : index
      %get3A_67 = arith.constant 0 : index
      %get3A_68 = vector.load %arg8[%get3A_66, %get3A_67] : memref<128x1xf32, #tpu.memory_space<vmem>>, vector<128x1xf32>
      %dot_general3A_69 = arith.constant dense<0.000000e+00> : vector<64x1xf32>
      %dot_general3A_70 = tpu.matmul %div3A, %get3A_68, %dot_general3A_69 {dimension_numbers = #tpu.dot_dimension_numbers<[1], [0], [0], [1], [0, 0, 1, 1], [], []>, transpose_lhs_hint = false} : vector<64x128xf32>, vector<128x1xf32>, vector<64x1xf32> -> vector<64x1xf32>
      %get3A_71 = arith.constant 0 : index
      %get3A_72 = arith.constant 0 : index
      %get3A_73 = vector.load %arg9[%get3A_71, %get3A_72] : memref<1x1xf32, #tpu.memory_space<vmem>>, vector<1x1xf32>
      %add3A_74 = vector.broadcast %get3A_73 : vector<1x1xf32> to vector<64x1xf32>
      %add3A_75 = arith.addf %dot_general3A_70, %add3A_74 : vector<64x1xf32>
      %swap3A_76 = arith.constant 0 : index
      %swap3A_77 = arith.constant 0 : index
      %swap3A_78 = vector.load %arg10[%swap3A_76, %swap3A_77] : memref<64x1xf32, #tpu.memory_space<vmem>>, vector<64x1xf32>
      tpu.vector_store %arg10[%swap3A_76, %swap3A_77], %add3A_75 {strides = array<i32>} : memref<64x1xf32, #tpu.memory_space<vmem>>, vector<64x1xf32>,
    } else {
    }
    return
  }
  func.func @transform_0(%arg0: i32) -> (i32, i32) {
    %c0_i32 = arith.constant 0 : i32
    %c0_i32_0 = arith.constant 0 : i32
    return %arg0, %c0_i32 : i32, i32
  }
  func.func @transform_1(%arg0: i32) -> (i32, i32) {
    %c0_i32 = arith.constant 0 : i32
    %c0_i32_0 = arith.constant 0 : i32
    return %arg0, %c0_i32 : i32, i32
  }
  func.func @transform_2(%arg0: i32) -> (i32, i32) {
    %c0_i32 = arith.constant 0 : i32
    %c0_i32_0 = arith.constant 0 : i32
    return %arg0, %c0_i32 : i32, i32
  }
  func.func @transform_3(%arg0: i32) -> (i32, i32) {
    %c0_i32 = arith.constant 0 : i32
    %c0_i32_0 = arith.constant 0 : i32
    return %arg0, %c0_i32 : i32, i32
  }
  func.func @transform_4(%arg0: i32) -> (i32, i32) {
    %c0_i32 = arith.constant 0 : i32
    %c0_i32_0 = arith.constant 0 : i32
    return %arg0, %c0_i32 : i32, i32
  }
  func.func @transform_5(%arg0: i32) -> (i32, i32) {
    %c0_i32 = arith.constant 0 : i32
    %c0_i32_0 = arith.constant 0 : i32
    %c0_i32_1 = arith.constant 0 : i32
    return %c0_i32, %c0_i32_0 : i32, i32
  }
  func.func @transform_6(%arg0: i32) -> (i32, i32, i32) {
    %c0_i32 = arith.constant 0 : i32
    %c0_i32_0 = arith.constant 0 : i32
    %c0_i32_1 = arith.constant 0 : i32
    return %arg0, %c0_i32, %c0_i32_0 : i32, i32, i32
  }
  func.func @transform_7(%arg0: i32) -> (i32, i32) {
    %c0_i32 = arith.constant 0 : i32
    %c0_i32_0 = arith.constant 0 : i32
    %c0_i32_1 = arith.constant 0 : i32
    return %c0_i32, %c0_i32_0 : i32, i32
  }
  func.func @transform_8(%arg0: i32) -> (i32, i32) {
    %c0_i32 = arith.constant 0 : i32
    %c0_i32_0 = arith.constant 0 : i32
    %c0_i32_1 = arith.constant 0 : i32
    return %c0_i32, %c0_i32_0 : i32, i32
  }
  func.func @transform_9(%arg0: i32) -> (i32, i32) {
    %c0_i32 = arith.constant 0 : i32
    %c0_i32_0 = arith.constant 0 : i32
    %c0_i32_1 = arith.constant 0 : i32
    return %c0_i32, %c0_i32_0 : i32, i32
  }
}

</mosaic_0001>

<sc_bundles>
// kernel: kernel.10.cloned.1.call-start
scs
__scs_entry_jumppad:
0x0: {  	(pc) =	sbr.rel $0x88, $3  }
0x1: {  	(tag) =	ssettag $0x0;
	lr =	simm.s32 $0x1  }
0x2: {  	[smem:$0x3F95] =	sst lr;
	_ =	strace $0xD0000000  }
0x3: {  	_ = 	snop  }
0x4: {  	_ = 	snop  }
0x5: {  	_ = 	snop  }
0x6: {  	_ = 	snop  }
0x7: {  	_ = 	snop  }
__scs_overlays_trampoline_lowered:
0x8: {  	[smem:$0x3FA4] =	sst s0  }
0x9: {  	[smem:$0x3FA5] =	sst s1  }
0xa: {  	[smem:$0x3FA6] =	sst s2  }
0xb: {  	[smem:$0x3FA7] =	sst s3  }
0xc: {  	[smem:$0x3FA8] =	sst s4  }
0xd: {  	[smem:$0x3FA9] =	sst s5  }
0xe: {  	[smem:$0x3FAA] =	sst s6  }
0xf: {  	[smem:$0x3FAB] =	sst s7  }
0x10: {  	[smem:$0x3FAC] =	sst s8  }
0x11: {  	[smem:$0x3FAD] =	sst s9;
	s0 =	simm.s32 @!p0 $0x0  }
0x12: {  	s1 =	sld [smem:$0x3F93];
	s0 =	simm.s32 @p0 $0x1  }
0x13: {  	[smem:$0x3FAE] =	sst s0;
	s0 =	simm.s32 @!p1 $0x0  }
0x14: {  	s2 =	sld [smem:$0x3F92];
	s0 =	simm.s32 @p1 $0x1  }
0x15: {  	[smem:$0x3FAF] =	sst s0;
	s0 =	simm.s32 @!p2 $0x0  }
0x16: {  	s3 =	sld [smem:$0x3FDB];
	s0 =	simm.s32 @p2 $0x1  }
0x17: {  	s4 =	simm.s32 $0x1BF5;
	[smem:$0x3FB1] =	sst s0  }
0x18: {  	s0 =	sld [smem:$0x3F94];
	_ =	swait.ge [sflag:s4], $0x0  }
0x19: {  	s7 =	sld [smem:$0x3F95]  }
0x1a: {  	s8 =	sadd.s32 $0xFFFFE003, lr  }
0x1b: {  	s9 =	sadd.s32 $0xFFFFFEF7, lr;
	s5 =	simm.s32 $0xFFFFFFFF;
	p2 =	slt.u32 s8, $0xFFFFF086  }
0x1c: {  	p1 =	slt.u32 s9, $0xF7A;
	s5 =	simm.s32 @!p2 $0x0  }
0x1d: {  	s5 =	simm.s32 @p1 $0x1;
	p0 =	seq.s32 s7, s2  }
0x1e: {  	s7 =	smul.u32 @!p0 $0xF7A, s2;
	p2 =	seq.s32 @!p0 s5, $0x0  }
0x1f: {  	s9 =	smul.u32 $0xF7A, s1;
	s8 =	simm.s32 @!p0 $0x1BF5;
	p2 =	por !p2, p0  }
0x20: {  	[sflag:s8] =	ssyncset.s32 @!p0 $0xFFFFF086;
	s6 =	sadd.s32 @!p0 s3, s7;
	s7 =	simm.s32 @!p0 $0x108  }
0x21: {  	s3 =	sadd.s32 s3, s9;
	s6 =	sadd.s32 @!p0 $0x88, s6;
	s7 =	simm.s32 @p2 $0x1082  }
0x22: {  	[simem:s7], [sflag:s8] =	dma.local @!p0 [hbm:s6], $0xF7A  }
0x23: {  	s9 =	sor.u32 $0xD0000000, s2;
	s6 =	simm.s32 $0x108;
	_ =	swait.ge @!p0 [sflag:s8], $0x0  }
0x24: {  	s3 =	sadd.s32 $0x88, s3;
	s6 =	simm.s32 @!p1 $0x1082;
	[sflag:s4] =	ssyncset.s32 $0xFFFFF086  }
0x25: {  	[simem:s6], [sflag:s4] =	dma.local [hbm:s3], $0xF7A  }
0x26: {  	[smem:$0x3F95] =	sst s1;
	(tag) =	ssettag s2;
	_ =	strace s9  }
0x27: {  	s1 =	sld [smem:$0x3FA5]  }
0x28: {  	s2 =	sld [smem:$0x3FA6]  }
0x29: {  	s4 =	sld [smem:$0x3FA8]  }
0x2a: {  	p0 =	seq.s32 s5, $0x0;
	s5 =	sld [smem:$0x3FA9]  }
0x2b: {  	s6 =	sld [smem:$0x3FAA]  }
0x2c: {  	s7 =	sld [smem:$0x3FAB]  }
0x2d: {  	s3 =	simm.s32 $0x108;
	s8 =	sld [smem:$0x3FAC]  }
0x2e: {  	s3 =	simm.s32 @!p0 $0x1082;
	s9 =	sld [smem:$0x3FAD]  }
0x2f: {  	lr =	sadd.s32 s0, s3;
	s0 =	sld [smem:$0x3FA4]  }
0x30: {  	s3 =	sld [smem:$0x3FA7]  }
0x31: {  	[smem:$0x3FB0] =	sst s10  }
0x32: {  	s10 =	sld [smem:$0x3FAE];
	_ =	sdelay $0x3  }
0x33: {  	p0 =	seq.s32 s10, $0x1;
	s10 =	sld [smem:$0x3FB0];
	_ =	sdelay $0x3  }
0x34: {  	[smem:$0x3FB0] =	sst s10  }
0x35: {  	s10 =	sld [smem:$0x3FAF];
	_ =	sdelay $0x3  }
0x36: {  	p1 =	seq.s32 s10, $0x1;
	s10 =	sld [smem:$0x3FB0];
	_ =	sdelay $0x3  }
0x37: {  	[smem:$0x3FB0] =	sst s10  }
0x38: {  	s10 =	sld [smem:$0x3FB1]  }
0x39: {  	_ = 	snop;
	(pc) =	sbr.ind lr, $3  }
0x3a: {  	_ = 	snop  }
0x3b: {  	_ = 	snop  }
0x3c: {  	p2 =	seq.s32 s10, $0x1;
	s10 =	sld [smem:$0x3FB0]  }
0x3d: {  	_ =	shalt  }
0x3e: {  	_ =	shalt  }
0x3f: {  	_ =	shalt  }
0x40: {  	_ =	shalt  }
0x41: {  	_ =	shalt  }
0x42: {  	_ =	shalt  }
0x43: {  	_ =	shalt  }
0x44: {  	_ =	shalt  }
0x45: {  	_ =	shalt  }
0x46: {  	_ =	shalt  }
0x47: {  	_ =	shalt  }
0x48: {  	_ =	shalt  }
0x49: {  	_ =	shalt  }
0x4a: {  	_ =	shalt  }
0x4b: {  	_ =	shalt  }
0x4c: {  	_ =	shalt  }
0x4d: {  	_ =	shalt  }
0x4e: {  	_ =	shalt  }
0x4f: {  	_ =	shalt  }
0x50: {  	_ =	shalt  }
0x51: {  	_ =	shalt  }
0x52: {  	_ =	shalt  }
0x53: {  	_ =	shalt  }
0x54: {  	_ =	shalt  }
0x55: {  	_ =	shalt  }
0x56: {  	_ =	shalt  }
0x57: {  	_ =	shalt  }
0x58: {  	_ =	shalt  }
0x59: {  	_ =	shalt  }
0x5a: {  	_ =	shalt  }
0x5b: {  	_ =	shalt  }
0x5c: {  	_ =	shalt  }
0x5d: {  	_ =	shalt  }
0x5e: {  	_ =	shalt  }
0x5f: {  	_ =	shalt  }
0x60: {  	_ =	shalt  }
0x61: {  	_ =	shalt  }
0x62: {  	_ =	shalt  }
0x63: {  	_ =	shalt  }
0x64: {  	_ =	shalt  }
0x65: {  	_ =	shalt  }
0x66: {  	_ =	shalt  }
0x67: {  	_ =	shalt  }
0x68: {  	_ =	shalt  }
0x69: {  	_ =	shalt  }
0x6a: {  	_ =	shalt  }
0x6b: {  	_ =	shalt  }
0x6c: {  	_ =	shalt  }
0x6d: {  	_ =	shalt  }
0x6e: {  	_ =	shalt  }
0x6f: {  	_ =	shalt  }
0x70: {  	_ =	shalt  }
0x71: {  	_ =	shalt  }
0x72: {  	_ =	shalt  }
0x73: {  	_ =	shalt  }
0x74: {  	_ =	shalt  }
0x75: {  	_ =	shalt  }
0x76: {  	_ =	shalt  }
0x77: {  	_ =	shalt  }
0x78: {  	_ =	shalt  }
0x79: {  	_ =	shalt  }
0x7a: {  	_ =	shalt  }
0x7b: {  	_ =	shalt  }
0x7c: {  	_ =	shalt  }
0x7d: {  	_ =	shalt  }
0x7e: {  	_ =	shalt  }
0x7f: {  	_ =	shalt  }
0x80: {  	_ =	shalt  }
0x81: {  	_ =	shalt  }
0x82: {  	_ =	shalt  }
0x83: {  	_ =	shalt  }
0x84: {  	_ =	shalt  }
0x85: {  	_ =	shalt  }
0x86: {  	_ =	shalt  }
0x87: {  	_ =	shalt  }
.Lfunc_end0:
.L_simem_size_0:
called_computation_lowered:
.L_overlay_start_0:
0x88: {  	s2 =	sld [smem:$0x3FD9]  }
0x89: {  	s3 =	sld [smem:$0x3FFE];
	_ =	sdelay $0x1  }
0x8a: {  	s1 =	srdreg.scid  }
0x8b: {  	s0 =	sand.u32 $0x1, s1  }
0x8c: {  	s16 =	sshll.u32 s0, $0xA;
	s2 =	sadd.s32 s3, s2  }
0x8d: {  	s2 =	sadd.s32 s2, s16  }
0x8e: {  	[smem:$0x3FBC] =	sst s2  }
0x8f: {  	_ = 	snop  }
0x90: {  	(tm) =	ssettm $0x1  }
0x91: {  	s17 =	sld [smem:$0x3FFB];
	_ =	sdelay $0x3  }
0x92: {  	_ =	strace s17  }
0x93: {  	s2 =	sld [smem:$0x3FFC];
	_ =	sdelay $0x3  }
0x94: {  	_ =	strace s2  }
0x95: {  	s2 =	sld [smem:$0x3FFD];
	_ =	sdelay $0x3  }
0x96: {  	_ =	strace s2  }
0x97: {  	_ =	strace $0x8FFFFFFF  }
0x98: {  	s18 =	sld [smem:$0x3FDB];
	_ =	sdelay $0x1  }
0x99: {  	s19 =	simm.s32 $_scs_section_size  }
0x9a: {  	s4 =	simm.s32 $_size__tile_overlayer_lowered;
	s5 =	simm.s32 $_tile_overlayer_lowered  }
0x9b: {  	s22 =	simm.s32 $0x1BFF;
	s21 =	sshll.u32 s5, $0x1;
	s2 =	sadd.s32 s19, s18  }
0x9c: {  	s6 =	simm.s32 $0x0;
	s20 =	sshll.u32 s4, $0x1;
	s4 =	sadd.s32 s21, s2  }
0x9d: {  	[timem:s6], [sflag:s22] =	dma.local [hbm:s4], s20  }
0x9e: {  	_ =	swait.ge [sflag:s22], s20  }
0x9f: {  	s3 =	ssub.s32 $0x0, s20;
	[sflag:s22] =	ssyncset.done $0x0  }
0xa0: {  	[sflag:s22] =	ssyncadd.s32 s3;
	_ =	sdelay $0x1  }
0xa1: {  	s23 =	simm.s32 $0x1B8B  }
0xa2: {  	_ =	swait.ge [sflag:s23], $0x1  }
0xa3: {  	[sflag:s23] =	ssyncset.done $0x0  }
0xa4: {  	s25 =	simm.s32 $0x1B8E;
	s24 =	sld [smem:$0x3FFE];
	[sflag:s23] =	ssyncadd.s32 $0xFFFFFFFF  }
0xa5: {  	s26 =	simm.s32 $execute0_lowered;
	[smem:$0x3FD2] =	sst s25  }
0xa6: {  	s4 =	sshll.u32 s26, $0x1;
	_ =	strace $0x80000046;
	[dreg:$0x1] =	wrdreg $0xFFFFFFFF  }
0xa7: {  	s28 =	simm.s32 $_size_execute0_lowered;
	s2 =	sadd.s32 s2, s4;
	[dreg:$0x0] =	wrdreg $0x0  }
0xa8: {  	s4 =	sshll.u32 s28, $0x1;
	[dreg:$0x2] =	wrdreg s2  }
0xa9: {  	[dreg:$0x3] =	wrdreg s4  }
0xaa: {  	[dreg:$0x4] =	wrdreg $0xC0  }
0xab: {  	_ =	task [dreg:s6], $0x5FFFF  }
0xac: {  	[dreg:$0x1] =	wrdreg $0xFFFFFFFF  }
0xad: {  	[dreg:$0x0] =	wrdreg $0x60  }
0xae: {  	[dreg:$0x2] =	wrdreg s24  }
0xaf: {  	[dreg:$0x3] =	wrdreg $0x68000  }
0xb0: {  	[dreg:$0x4] =	wrdreg $0x9  }
0xb1: {  	_ =	task.clear_ibuf [dreg:s6], $0x5FFFF;
	_ =	strace $0x90000046  }
0xb2: {  	s29 =	simm.s32 $0x9;
	_ =	strace $0x80000048  }
0xb3: {  	_ =	swait.ge [sflag:s29], $0x1  }
0xb4: {  	[sflag:s29] =	ssyncadd.s32 $0xFFFFFFFF  }
0xb5: {  	_ =	strace $0x90000048  }
0xb6: {  	_ =	sfence  }
0xb7: {  	s30 =	sld [smem:$0x0];
	_ =	sdelay $0x2  }
0xb8: {  	s31 =	sshll.u32 s1, $0xD;
	s1 =	sshrl.u32 s1, $0x2  }
0xb9: {  	s3 =	sand.u32 $0x4000, s31;
	s1 =	sadd.s32 s1, s30  }
0xba: {  	s0 =	sor.u32 s3, s0;
	s1 =	sshll.u32 s1, $0x11  }
0xbb: {  	s0 =	sor.u32 s1, s0  }
0xbc: {  	s0 =	sadd.s32 $0x8F2B, s0  }
0xbd: {  	[sflag:s0] =	ssyncadd.remote.s32 $0x1  }
0xbe: {  	_ =	sfence.sel $0xFFFF  }
0xbf: {  	[dreg:$0x0] =	wrdreg $0xFFFFFFFF;
	(pc) =	sbr.abs _section_cstart, $3  }
0xc0: {  	[dreg:$0x1] =	wrdreg $0xFFFFFFFF  }
0xc1: {  	_ =	task.clear_ibuf [dreg:s6], $0x2FFFF;
	_ =	strace $0x9FFFFFFF  }
0xc2: {  	(tm) =	ssettm $0x7FFFFFFF  }
0xc3: {  	_ =	shalt  }
tec
execute0_lowered:
.L_overlay_start_1:
0x0: {  	(tag) =	ssettag $0x1  }
0x1: {  	s6 =	rddreg [dreg:$0x0]  }
0x2: {  	s0 =	srdreg.scid;
	s2 =	rddreg [dreg:$0x1];
	s3 =	simm.s32 $0x0  }
0x3: {  	s13 =	simm.s32 $0x3400;
	s14 =	simm.s32 $0x1;
	s15 =	simm.s32 $0x64  }
0x4: {  	s23 =	simm.s32 $0x0;
	s7 =	sand.u32 $0x1, s0;
	s0 =	stileid.u32  }
0x5: {  	[smem:$0x7FF] =	sst s3;
	s5 =	sadd.s32 $0x25A00, s6;
	s18 =	sadd.s32 $0x28A00, s6  }
0x6: {  	s20 =	sadd.s32 $0x4FC00, s6;
	s21 =	sadd.s32 $0x124800, s2;
	s1 =	sshll.u32 s7, $0x4  }
0x7: {  	s9 =	ssub.s32 $0x2, s7;
	s11 =	smul.u32 $0x4E000, s0;
	p0 =	seq.s32 s0, $0xF  }
0x8: {  	p3 =	sne.s32 s0, $0xF;
	p4 =	seq.s32 s7, $0x0;
	s31 =	smul.u32 $0x2700, s0  }
0x9: {  	p1 =	seq.s32 s7, $0x1;
	s4 =	sor.u32 s0, s1;
	s1 =	rddreg [dreg:$0x2]  }
0xa: {  	_ =	strace $0x80000047;
	s10 =	sshrl.u32 s9, $0x1;
	p2 =	por !p4, !p3  }
0xb: {  	p4 =	por !p4, !p0;
	p5 =	por !p3, !p1;
	s4 =	smul.u32 $0x680, s4  }
0xc: {  	s9 =	ssub.s32 s9, s10;
	s30 =	sshrl.u32 s11, $0x2;
	p2 =	por !p2, !p2  }
0xd: {  	s7 =	sadd.s32 s18, s31;
	p3 =	por !p4, !p4;
	p6 =	por !p5, !p5  }
0xe: {  	s11 =	sshll.u32 @!p0 s0, $0x6;
	s10 =	sshrl.u32 @p0 s21, $0x3;
	s21 =	sshrl.u32 s21, $0x3  }
0xf: {  	s19 =	sadd.s32 s30, s2;
	s9 =	smax.u32 s9, $0x1;
	s11 =	sor.u32 @!p0 $0x1C01, s11  }
0x10: {  	s16 =	sshll.u32 @p2 s0, $0x6;
	p4 =	por !p6, p3;
	s8 =	sadd.s32 s4, s6  }
0x11: {  	s4 =	sadd.s32 $0x28200, s6;
	s12 =	sshrl.u32 @!p0 s19, $0x3;
	s16 =	sor.u32 @p2 $0x1C01, s16  }
0x12: {  	s17 =	sshrl.u32 @p2 s19, $0x3;
	s22 =	sshll.u32 @!p4 s0, $0x6;
	s19 =	sshrl.u32 @!p4 s19, $0x3  }
0x13: {  	s6 =	sadd.s32 $0x18A00, s8;
	s8 =	sadd.s32 s20, s31;
	s20 =	smov.u32 @p3 s18  }
0x14: {  	s18 =	sor.u32 @!p4 $0x1C01, s22;
	s22 =	simm.s32 $0x1FC1;
	s20 =	sadd.s32 $0x24900, s20  }
.LBB2_1:
0x15: {  	s24 =	simm.s32 @p0 $0x1FC1  }
0x16: {  	[spmem:s10], [sflag:s24] =	dma.local @p0 [hbm:s5], $0x2800  }
0x17: {  	s24 =	simm.s32 @p0 $0x1  }
0x18: {  	_ =	swait.ge @p0 [sflag:s24], $0x2800  }
0x19: {  	[sflag:s24] =	ssyncset.done @p0 $0x0  }
0x1a: {  	[sflag:s24] =	ssyncadd.s32 @p0 $0xFFFFD800;
	s24 =	simm.s32 @!p0 $0x1  }
0x1b: {  	[spmem:s12], [sflag:s11] =	dma.local @!p0 [hbm:s5], $0x2700  }
0x1c: {  	_ =	swait.ge @!p0 [sflag:s24], $0x2700  }
0x1d: {  	[sflag:s24] =	ssyncset.done @!p0 $0x0  }
0x1e: {  	[sflag:s24] =	ssyncadd.s32 @!p0 $0xFFFFD900  }
0x1f: {  	[tilespmem:s13], [sflag:$0x1] =	stream.linear.gather [hbm4b:s4+s3], $0x3200, $0x38;
	[tilespmem:$0x8F10] =	vst v63  }
0x20: {  	_ =	swait.ge [sflag:s14], $0x3200  }
0x21: {  	[sflag:s14] =	ssyncset.done $0x0  }
0x22: {  	[sflag:s14] =	ssyncadd.s32 $0xFFFFCE00  }
0x23: {  	[tilespmem:s3], [sflag:$0x1] =	stream.linear.gather [hbm4b:s6+s3], $0x3200, $0x38;
	[tilespmem:$0x8F10] =	vst v63  }
0x24: {  	_ =	swait.ge [sflag:s14], $0x3200  }
0x25: {  	[sflag:s14] =	ssyncset.done $0x0  }
0x26: {  	[sflag:s14] =	ssyncadd.s32 $0xFFFFCE00  }
0x27: {  	s31 =	simm.s32 $0x0;
	[bflag:$0x0] =	sbarrier.arrive $0xFFFF  }
0x28: {  	[spmem:s2] =	stream.indirect.scatter.add.f32 [tilespmem:s13], [sflag:$0x1], $0x10, s31, s15, $0xb8;
	[tilespmem:$0x8F10] =	vst v63  }
0x29: {  	_ =	swait.ge [sflag:s14], $0x640  }
0x2a: {  	s24 =	simm.s32 $0x200;
	[sflag:s14] =	ssyncset.done $0x0  }
.LBB2_2:
0x2b: {  	s25 =	sshra.s32 s24, $0x2;
	[sflag:s14] =	ssyncadd.s32 $0xFFFFF9C0;
	p5 =	sne.s32 s24, $0xC600  }
0x2c: {  	[spmem:s2] =	stream.indirect.scatter.add.f32 [tilespmem:s13], [sflag:$0x1], $0x10, s25, s15, $0xb8;
	[tilespmem:$0x8F10] =	vst v63  }
.Ltmp0:
0x2d: {  	_ = 	snop;
	(pc) =	sbr.rel @p5 .LBB2_2-.Ltmp0, $4  }
0x2e: {  	_ = 	snop  }
0x2f: {  	s24 =	sadd.s32 $0x200, s24  }
0x30: {  	_ =	swait.ge [sflag:s14], $0x640  }
0x31: {  	[sflag:s14] =	ssyncset.done $0x0  }
0x32: {  	[sflag:s14] =	ssyncadd.s32 $0xFFFFF9C0  }
0x33: {  	s24 =	simm.s32 @p2 $0x1;
	[bflag:$0x0] =	sbarrier.arrive $0xFFFF  }
0x34: {  	[hbm:s7], [sflag:s16] =	dma.local @p2 [spmem:s17], $0x2700  }
0x35: {  	_ =	swait.ge @p2 [sflag:s24], $0x2700  }
0x36: {  	p5 =	por @!p4 $0x1, $0x1;
	p6 =	por p1, p1;
	[sflag:s24] =	ssyncset.done @p2 $0x0  }
0x37: {  	p6 =	por @!p4 p5, p5;
	[sflag:s24] =	ssyncadd.s32 @p2 $0xFFFFD900;
	s24 =	simm.s32 @!p4 $0x1  }
0x38: {  	[hbm:s8], [sflag:s18] =	dma.local @!p4 [spmem:s19], $0x2700  }
0x39: {  	p5 =	por @!p3 !p6, !p0;
	_ =	swait.ge @!p4 [sflag:s24], $0x2700  }
0x3a: {  	p5 =	por @!p3 !p5, !p5;
	[sflag:s24] =	ssyncset.done @!p4 $0x0  }
0x3b: {  	p5 =	por p3, p5;
	[sflag:s24] =	ssyncadd.s32 @!p4 $0xFFFFD900  }
0x3c: {  	[hbm:s20], [sflag:s22] =	dma.local @p5 [spmem:s21], $0x2800  }
0x3d: {  	_ =	swait.ge @p5 [sflag:s14], $0x2800  }
0x3e: {  	s23 =	sadd.s32 $0x1, s23;
	[sflag:s14] =	ssyncset.done @p5 $0x0  }
0x3f: {  	[sflag:s14] =	ssyncadd.s32 @p5 $0xFFFFD800;
	p5 =	sne.s32 s23, s9  }
.Ltmp1:
0x40: {  	_ = 	snop;
	(pc) =	sbr.rel @p5 .LBB2_1-.Ltmp1, $1  }
0x41: {  	_ =	sdelay $0x3  }
0x42: {  	_ =	sfence.sel $0x180000  }
0x43: {  	[bflag:$0x0] =	sbarrier.arrive $0xFFFF  }
0x44: {  	p0 =	sne.s32 s0, $0x0;
	_ =	strace $0x90000047  }
0x45: {  	s0 =	sadd.s32 @!p0 $0x100000, s1;
	[bflag:$0x2] =	sbarrier.arrive $0xFFFF  }
0x46: {  	[sflag:s0] =	ssyncadd.tile.s32 @!p0 $0x1;
	_ =	shalt  }
.Lfunc_end2:
_tile_overlayer_lowered:
.L_overlay_start_2:
0x47: {  	(tag) =	ssettag $0x2  }
0x48: {  	s0 =	rddreg [dreg:$0x0];
	s2 =	stileid.u32  }
0x49: {  	s1 =	rddreg [dreg:$0x1];
	p0 =	sne.s32 s2, $0x0  }
0x4a: {  	s3 =	rddreg [dreg:$0x2];
	[bflag:$0x3] =	sbarrier.arrive $0xFFFF;
	s2 =	simm.s32 @!p0 $0x1C01  }
0x4b: {  	[timem:s3], [sflag:s2] =	dma.local @!p0 [hbm:s0], s1  }
0x4c: {  	s0 =	simm.s32 @!p0 $0x1  }
0x4d: {  	_ =	swait.ge @!p0 [sflag:s0], s1  }
0x4e: {  	s1 =	ssub.s32 @!p0 $0x0, s1;
	[sflag:s0] =	ssyncset.done @!p0 $0x0  }
0x4f: {  	[sflag:s0] =	ssyncadd.s32 @!p0 s1  }
0x50: {  	[bflag:$0x3] =	sbarrier.arrive $0xFFFF  }
0x51: {  	_ =	shalt  }

// kernel: kernel.13.cloned.1.call-start
scs
__scs_entry_jumppad:
0x0: {  	(pc) =	sbr.rel $0x88, $3  }
0x1: {  	(tag) =	ssettag $0x0;
	lr =	simm.s32 $0x1  }
0x2: {  	[smem:$0x3F95] =	sst lr;
	_ =	strace $0xD0000000  }
0x3: {  	_ = 	snop  }
0x4: {  	_ = 	snop  }
0x5: {  	_ = 	snop  }
0x6: {  	_ = 	snop  }
0x7: {  	_ = 	snop  }
__scs_overlays_trampoline_lowered:
0x8: {  	[smem:$0x3FA4] =	sst s0  }
0x9: {  	[smem:$0x3FA5] =	sst s1  }
0xa: {  	[smem:$0x3FA6] =	sst s2  }
0xb: {  	[smem:$0x3FA7] =	sst s3  }
0xc: {  	[smem:$0x3FA8] =	sst s4  }
0xd: {  	[smem:$0x3FA9] =	sst s5  }
0xe: {  	[smem:$0x3FAA] =	sst s6  }
0xf: {  	[smem:$0x3FAB] =	sst s7  }
0x10: {  	[smem:$0x3FAC] =	sst s8  }
0x11: {  	[smem:$0x3FAD] =	sst s9;
	s0 =	simm.s32 @!p0 $0x0  }
0x12: {  	s1 =	sld [smem:$0x3F93];
	s0 =	simm.s32 @p0 $0x1  }
0x13: {  	[smem:$0x3FAE] =	sst s0;
	s0 =	simm.s32 @!p1 $0x0  }
0x14: {  	s2 =	sld [smem:$0x3F92];
	s0 =	simm.s32 @p1 $0x1  }
0x15: {  	[smem:$0x3FAF] =	sst s0;
	s0 =	simm.s32 @!p2 $0x0  }
0x16: {  	s3 =	sld [smem:$0x3FDB];
	s0 =	simm.s32 @p2 $0x1  }
0x17: {  	s4 =	simm.s32 $0x1BF5;
	[smem:$0x3FB1] =	sst s0  }
0x18: {  	s0 =	sld [smem:$0x3F94];
	_ =	swait.ge [sflag:s4], $0x0  }
0x19: {  	s7 =	sld [smem:$0x3F95]  }
0x1a: {  	s8 =	sadd.s32 $0xFFFFE003, lr  }
0x1b: {  	s9 =	sadd.s32 $0xFFFFFEF7, lr;
	s5 =	simm.s32 $0xFFFFFFFF;
	p2 =	slt.u32 s8, $0xFFFFF086  }
0x1c: {  	p1 =	slt.u32 s9, $0xF7A;
	s5 =	simm.s32 @!p2 $0x0  }
0x1d: {  	s5 =	simm.s32 @p1 $0x1;
	p0 =	seq.s32 s7, s2  }
0x1e: {  	s7 =	smul.u32 @!p0 $0xF7A, s2;
	p2 =	seq.s32 @!p0 s5, $0x0  }
0x1f: {  	s9 =	smul.u32 $0xF7A, s1;
	s8 =	simm.s32 @!p0 $0x1BF5;
	p2 =	por !p2, p0  }
0x20: {  	[sflag:s8] =	ssyncset.s32 @!p0 $0xFFFFF086;
	s6 =	sadd.s32 @!p0 s3, s7;
	s7 =	simm.s32 @!p0 $0x108  }
0x21: {  	s3 =	sadd.s32 s3, s9;
	s6 =	sadd.s32 @!p0 $0x88, s6;
	s7 =	simm.s32 @p2 $0x1082  }
0x22: {  	[simem:s7], [sflag:s8] =	dma.local @!p0 [hbm:s6], $0xF7A  }
0x23: {  	s9 =	sor.u32 $0xD0000000, s2;
	s6 =	simm.s32 $0x108;
	_ =	swait.ge @!p0 [sflag:s8], $0x0  }
0x24: {  	s3 =	sadd.s32 $0x88, s3;
	s6 =	simm.s32 @!p1 $0x1082;
	[sflag:s4] =	ssyncset.s32 $0xFFFFF086  }
0x25: {  	[simem:s6], [sflag:s4] =	dma.local [hbm:s3], $0xF7A  }
0x26: {  	[smem:$0x3F95] =	sst s1;
	(tag) =	ssettag s2;
	_ =	strace s9  }
0x27: {  	s1 =	sld [smem:$0x3FA5]  }
0x28: {  	s2 =	sld [smem:$0x3FA6]  }
0x29: {  	s4 =	sld [smem:$0x3FA8]  }
0x2a: {  	p0 =	seq.s32 s5, $0x0;
	s5 =	sld [smem:$0x3FA9]  }
0x2b: {  	s6 =	sld [smem:$0x3FAA]  }
0x2c: {  	s7 =	sld [smem:$0x3FAB]  }
0x2d: {  	s3 =	simm.s32 $0x108;
	s8 =	sld [smem:$0x3FAC]  }
0x2e: {  	s3 =	simm.s32 @!p0 $0x1082;
	s9 =	sld [smem:$0x3FAD]  }
0x2f: {  	lr =	sadd.s32 s0, s3;
	s0 =	sld [smem:$0x3FA4]  }
0x30: {  	s3 =	sld [smem:$0x3FA7]  }
0x31: {  	[smem:$0x3FB0] =	sst s10  }
0x32: {  	s10 =	sld [smem:$0x3FAE];
	_ =	sdelay $0x3  }
0x33: {  	p0 =	seq.s32 s10, $0x1;
	s10 =	sld [smem:$0x3FB0];
	_ =	sdelay $0x3  }
0x34: {  	[smem:$0x3FB0] =	sst s10  }
0x35: {  	s10 =	sld [smem:$0x3FAF];
	_ =	sdelay $0x3  }
0x36: {  	p1 =	seq.s32 s10, $0x1;
	s10 =	sld [smem:$0x3FB0];
	_ =	sdelay $0x3  }
0x37: {  	[smem:$0x3FB0] =	sst s10  }
0x38: {  	s10 =	sld [smem:$0x3FB1]  }
0x39: {  	_ = 	snop;
	(pc) =	sbr.ind lr, $3  }
0x3a: {  	_ = 	snop  }
0x3b: {  	_ = 	snop  }
0x3c: {  	p2 =	seq.s32 s10, $0x1;
	s10 =	sld [smem:$0x3FB0]  }
0x3d: {  	_ =	shalt  }
0x3e: {  	_ =	shalt  }
0x3f: {  	_ =	shalt  }
0x40: {  	_ =	shalt  }
0x41: {  	_ =	shalt  }
0x42: {  	_ =	shalt  }
0x43: {  	_ =	shalt  }
0x44: {  	_ =	shalt  }
0x45: {  	_ =	shalt  }
0x46: {  	_ =	shalt  }
0x47: {  	_ =	shalt  }
0x48: {  	_ =	shalt  }
0x49: {  	_ =	shalt  }
0x4a: {  	_ =	shalt  }
0x4b: {  	_ =	shalt  }
0x4c: {  	_ =	shalt  }
0x4d: {  	_ =	shalt  }
0x4e: {  	_ =	shalt  }
0x4f: {  	_ =	shalt  }
0x50: {  	_ =	shalt  }
0x51: {  	_ =	shalt  }
0x52: {  	_ =	shalt  }
0x53: {  	_ =	shalt  }
0x54: {  	_ =	shalt  }
0x55: {  	_ =	shalt  }
0x56: {  	_ =	shalt  }
0x57: {  	_ =	shalt  }
0x58: {  	_ =	shalt  }
0x59: {  	_ =	shalt  }
0x5a: {  	_ =	shalt  }
0x5b: {  	_ =	shalt  }
0x5c: {  	_ =	shalt  }
0x5d: {  	_ =	shalt  }
0x5e: {  	_ =	shalt  }
0x5f: {  	_ =	shalt  }
0x60: {  	_ =	shalt  }
0x61: {  	_ =	shalt  }
0x62: {  	_ =	shalt  }
0x63: {  	_ =	shalt  }
0x64: {  	_ =	shalt  }
0x65: {  	_ =	shalt  }
0x66: {  	_ =	shalt  }
0x67: {  	_ =	shalt  }
0x68: {  	_ =	shalt  }
0x69: {  	_ =	shalt  }
0x6a: {  	_ =	shalt  }
0x6b: {  	_ =	shalt  }
0x6c: {  	_ =	shalt  }
0x6d: {  	_ =	shalt  }
0x6e: {  	_ =	shalt  }
0x6f: {  	_ =	shalt  }
0x70: {  	_ =	shalt  }
0x71: {  	_ =	shalt  }
0x72: {  	_ =	shalt  }
0x73: {  	_ =	shalt  }
0x74: {  	_ =	shalt  }
0x75: {  	_ =	shalt  }
0x76: {  	_ =	shalt  }
0x77: {  	_ =	shalt  }
0x78: {  	_ =	shalt  }
0x79: {  	_ =	shalt  }
0x7a: {  	_ =	shalt  }
0x7b: {  	_ =	shalt  }
0x7c: {  	_ =	shalt  }
0x7d: {  	_ =	shalt  }
0x7e: {  	_ =	shalt  }
0x7f: {  	_ =	shalt  }
0x80: {  	_ =	shalt  }
0x81: {  	_ =	shalt  }
0x82: {  	_ =	shalt  }
0x83: {  	_ =	shalt  }
0x84: {  	_ =	shalt  }
0x85: {  	_ =	shalt  }
0x86: {  	_ =	shalt  }
0x87: {  	_ =	shalt  }
.Lfunc_end0:
.L_simem_size_0:
called_computation.1_lowered:
.L_overlay_start_0:
0x88: {  	s2 =	sld [smem:$0x3FD9]  }
0x89: {  	s3 =	sld [smem:$0x3FFE];
	_ =	sdelay $0x1  }
0x8a: {  	s1 =	srdreg.scid  }
0x8b: {  	s0 =	sand.u32 $0x1, s1  }
0x8c: {  	s16 =	sshll.u32 s0, $0xA;
	s2 =	sadd.s32 s3, s2  }
0x8d: {  	s2 =	sadd.s32 s2, s16  }
0x8e: {  	[smem:$0x3FBC] =	sst s2  }
0x8f: {  	_ = 	snop  }
0x90: {  	(tm) =	ssettm $0x1  }
0x91: {  	s17 =	sld [smem:$0x3FFB];
	_ =	sdelay $0x3  }
0x92: {  	_ =	strace s17  }
0x93: {  	s2 =	sld [smem:$0x3FFC];
	_ =	sdelay $0x3  }
0x94: {  	_ =	strace s2  }
0x95: {  	s2 =	sld [smem:$0x3FFD];
	_ =	sdelay $0x3  }
0x96: {  	_ =	strace s2  }
0x97: {  	_ =	strace $0x8FFFFFFF  }
0x98: {  	s18 =	sld [smem:$0x3FDB];
	_ =	sdelay $0x1  }
0x99: {  	s19 =	simm.s32 $_scs_section_size  }
0x9a: {  	s4 =	simm.s32 $_size__tile_overlayer_lowered;
	s5 =	simm.s32 $_tile_overlayer_lowered  }
0x9b: {  	s22 =	simm.s32 $0x1BFF;
	s21 =	sshll.u32 s5, $0x1;
	s2 =	sadd.s32 s19, s18  }
0x9c: {  	s6 =	simm.s32 $0x0;
	s20 =	sshll.u32 s4, $0x1;
	s4 =	sadd.s32 s21, s2  }
0x9d: {  	[timem:s6], [sflag:s22] =	dma.local [hbm:s4], s20  }
0x9e: {  	_ =	swait.ge [sflag:s22], s20  }
0x9f: {  	s3 =	ssub.s32 $0x0, s20;
	[sflag:s22] =	ssyncset.done $0x0  }
0xa0: {  	[sflag:s22] =	ssyncadd.s32 s3;
	_ =	sdelay $0x1  }
0xa1: {  	s23 =	simm.s32 $0x1B8B  }
0xa2: {  	_ =	swait.ge [sflag:s23], $0x1  }
0xa3: {  	[sflag:s23] =	ssyncset.done $0x0  }
0xa4: {  	s25 =	simm.s32 $0x1B8E;
	s24 =	sld [smem:$0x3FFE];
	[sflag:s23] =	ssyncadd.s32 $0xFFFFFFFF  }
0xa5: {  	s26 =	simm.s32 $execute0_lowered;
	[smem:$0x3FD2] =	sst s25  }
0xa6: {  	s4 =	sshll.u32 s26, $0x1;
	_ =	strace $0x80000049;
	[dreg:$0x1] =	wrdreg $0xFFFFFFFF  }
0xa7: {  	s28 =	simm.s32 $_size_execute0_lowered;
	s2 =	sadd.s32 s2, s4;
	[dreg:$0x0] =	wrdreg $0x0  }
0xa8: {  	s4 =	sshll.u32 s28, $0x1;
	[dreg:$0x2] =	wrdreg s2  }
0xa9: {  	[dreg:$0x3] =	wrdreg s4  }
0xaa: {  	[dreg:$0x4] =	wrdreg $0xC0  }
0xab: {  	_ =	task [dreg:s6], $0x5FFFF  }
0xac: {  	[dreg:$0x1] =	wrdreg $0xFFFFFFFF  }
0xad: {  	[dreg:$0x0] =	wrdreg $0x60  }
0xae: {  	[dreg:$0x2] =	wrdreg s24  }
0xaf: {  	[dreg:$0x3] =	wrdreg $0x29000  }
0xb0: {  	[dreg:$0x4] =	wrdreg $0x9  }
0xb1: {  	_ =	task.clear_ibuf [dreg:s6], $0x5FFFF;
	_ =	strace $0x90000049  }
0xb2: {  	s29 =	simm.s32 $0x9;
	_ =	strace $0x8000004B  }
0xb3: {  	_ =	swait.ge [sflag:s29], $0x1  }
0xb4: {  	[sflag:s29] =	ssyncadd.s32 $0xFFFFFFFF  }
0xb5: {  	_ =	strace $0x9000004B  }
0xb6: {  	_ =	sfence  }
0xb7: {  	s30 =	sld [smem:$0x0];
	_ =	sdelay $0x2  }
0xb8: {  	s31 =	sshll.u32 s1, $0xD;
	s1 =	sshrl.u32 s1, $0x2  }
0xb9: {  	s3 =	sand.u32 $0x4000, s31;
	s1 =	sadd.s32 s1, s30  }
0xba: {  	s0 =	sor.u32 s3, s0;
	s1 =	sshll.u32 s1, $0x11  }
0xbb: {  	s0 =	sor.u32 s1, s0  }
0xbc: {  	s0 =	sadd.s32 $0x8F2B, s0  }
0xbd: {  	[sflag:s0] =	ssyncadd.remote.s32 $0x1  }
0xbe: {  	_ =	sfence.sel $0xFFFF  }
0xbf: {  	[dreg:$0x0] =	wrdreg $0xFFFFFFFF;
	(pc) =	sbr.abs _section_cstart, $3  }
0xc0: {  	[dreg:$0x1] =	wrdreg $0xFFFFFFFF  }
0xc1: {  	_ =	task.clear_ibuf [dreg:s6], $0x2FFFF;
	_ =	strace $0x9FFFFFFF  }
0xc2: {  	(tm) =	ssettm $0x7FFFFFFF  }
0xc3: {  	_ =	shalt  }
tec
execute0_lowered:
.L_overlay_start_1:
0x0: {  	(tag) =	ssettag $0x1  }
0x1: {  	s7 =	rddreg [dreg:$0x0]  }
0x2: {  	s2 =	rddreg [dreg:$0x1]  }
0x3: {  	s0 =	srdreg.scid;
	s1 =	rddreg [dreg:$0x2];
	s3 =	simm.s32 $0x0  }
0x4: {  	s18 =	simm.s32 $0x1;
	s19 =	simm.s32 $0x80;
	s20 =	simm.s32 $0x50  }
0x5: {  	s21 =	simm.s32 $0x100;
	s24 =	simm.s32 $0x1FC1;
	s10 =	sand.u32 $0x1, s0  }
0x6: {  	s25 =	simm.s32 $0x0;
	s0 =	stileid.u32;
	s4 =	smul.u32 $0x27100, s10  }
0x7: {  	[smem:$0x7FF] =	sst s3;
	s6 =	sadd.s32 $0x69600, s7;
	s5 =	smul.u32 $0x2710, s0  }
0x8: {  	_ =	strace $0x8000004A;
	s8 =	ssub.s32 $0x2, s10;
	s11 =	smul.u32 $0x4E000, s0  }
0x9: {  	p0 =	seq.s32 s0, $0xF;
	p3 =	sne.s32 s0, $0xF;
	p4 =	seq.s32 s10, $0x0  }
0xa: {  	s31 =	smul.u32 $0x2700, s0;
	p1 =	seq.s32 s10, $0x1;
	s9 =	sshrl.u32 s8, $0x1  }
0xb: {  	p2 =	por !p4, !p3;
	p4 =	por !p4, !p0;
	p5 =	por !p3, !p1  }
0xc: {  	s16 =	sshll.u32 @!p0 s0, $0x6;
	s4 =	sadd.s32 s5, s4;
	s12 =	ssub.s32 s8, s9  }
0xd: {  	s30 =	sshrl.u32 s11, $0x2;
	s8 =	sadd.s32 $0x124800, s2;
	p2 =	por !p2, !p2  }
0xe: {  	s10 =	sadd.s32 s6, s31;
	p3 =	por !p4, !p4;
	p6 =	por !p5, !p5  }
0xf: {  	s16 =	sor.u32 @!p0 $0x1C01, s16;
	s5 =	sshrl.u32 s4, $0x3;
	s4 =	sadd.s32 $0x18A00, s7  }
.Ltmp0:
0x10: {  	s9 =	sadd.s32 s30, s2;
	s12 =	smax.u32 s12, $0x1;
	(pc) =	sbr.rel .LBB2_1-.Ltmp0, $4  }
0x11: {  	s15 =	sshrl.u32 @p0 s8, $0x3;
	s22 =	sshll.u32 @p2 s0, $0x6;
	p4 =	por !p6, p3  }
0x12: {  	s14 =	sadd.s32 s5, s7;
	s5 =	sadd.s32 $0x66E00, s7;
	s7 =	sadd.s32 $0x90800, s7  }
0x13: {  	s17 =	sshrl.u32 @!p0 s9, $0x3;
	s22 =	sor.u32 @p2 $0x1C01, s22;
	s23 =	sshrl.u32 @p2 s9, $0x3  }
0x14: {  	s11 =	sadd.s32 s7, s31;
	s13 =	sadd.s32 $0xEC00, s14;
	s14 =	sadd.s32 $0x4E00, s14  }
.LBB2_5:
0x15: {  	s25 =	sadd.s32 $0x1, s25  }
0x16: {  	p5 =	sne.s32 s25, s12  }
.Ltmp1:
0x17: {  	_ = 	snop;
	(pc) =	sbr.rel @!p5 .LBB2_6-.Ltmp1, $1  }
0x18: {  	_ =	sdelay $0x3  }
.LBB2_1:
0x19: {  	s26 =	simm.s32 @p0 $0x1FC1  }
0x1a: {  	[spmem:s15], [sflag:s26] =	dma.local @p0 [hbm:s5], $0x2800  }
0x1b: {  	s26 =	simm.s32 @p0 $0x1  }
0x1c: {  	_ =	swait.ge @p0 [sflag:s26], $0x2800  }
0x1d: {  	[sflag:s26] =	ssyncset.done @p0 $0x0  }
0x1e: {  	[sflag:s26] =	ssyncadd.s32 @p0 $0xFFFFD800;
	s26 =	simm.s32 @!p0 $0x1  }
0x1f: {  	[spmem:s17], [sflag:s16] =	dma.local @!p0 [hbm:s5], $0x2700  }
0x20: {  	_ =	swait.ge @!p0 [sflag:s26], $0x2700  }
0x21: {  	[sflag:s26] =	ssyncset.done @!p0 $0x0  }
0x22: {  	[sflag:s26] =	ssyncadd.s32 @!p0 $0xFFFFD900  }
0x23: {  	s30 =	sadd.s32 $0x0, s14;
	[bflag:$0x0] =	sbarrier.arrive $0xFFFF  }
0x24: {  	[tilespmem:s3], [sflag:$0x1] =	stream.linear.gather [hbm4b:s30+s3], $0x50, $0x38;
	[tilespmem:$0x16180] =	vst v63  }
0x25: {  	_ =	swait.ge [sflag:s18], $0x50  }
0x26: {  	[sflag:s18] =	ssyncset.done $0x0  }
0x27: {  	s31 =	sadd.s32 $0x0, s13;
	[sflag:s18] =	ssyncadd.s32 $0xFFFFFFB0  }
0x28: {  	[tilespmem:s19], [sflag:$0x1] =	stream.linear.gather [hbm4b:s31+s3], $0x50, $0x38;
	[tilespmem:$0x16180] =	vst v63  }
0x29: {  	_ =	swait.ge [sflag:s18], $0x50  }
0x2a: {  	[sflag:s18] =	ssyncset.done $0x0  }
0x2b: {  	[sflag:s18] =	ssyncadd.s32 $0xFFFFFFB0  }
0x2c: {  	[tilespmem:s21], [sflag:$0x1] =	stream.indirect.gather [hbm4b:s4+s20], $0x80, s3, s20, $0xb8;
	[tilespmem:$0x16180] =	vst v63  }
0x2d: {  	_ =	swait.ge [sflag:s18], $0x2800  }
0x2e: {  	[sflag:s18] =	ssyncset.done $0x0  }
0x2f: {  	[sflag:s18] =	ssyncadd.s32 $0xFFFFD800  }
0x30: {  	[spmem:s2] =	stream.indirect.scatter.add.f32 [tilespmem:s21], [sflag:$0x1], $0x80, s19, s20, $0xb8;
	[tilespmem:$0x16180] =	vst v63  }
0x31: {  	_ =	swait.ge [sflag:s18], $0x2800  }
0x32: {  	s28 =	simm.s32 $0x14;
	s26 =	simm.s32 $0xA;
	[sflag:s18] =	ssyncset.done $0x0  }
.LBB2_2:
0x33: {  	s29 =	sadd.s32 s26, s14  }
0x34: {  	[sflag:s18] =	ssyncadd.s32 $0xFFFFD800;
	s30 =	smov.u32 s28;
	s31 =	sadd.s32 $0xA, s28  }
0x35: {  	[tilespmem:s3], [sflag:$0x1] =	stream.linear.gather [hbm4b:s29+s3], $0x50, $0x38;
	[tilespmem:$0x16180] =	vst v63  }
0x36: {  	p5 =	sne.s32 s28, $0x4D8;
	_ =	swait.ge [sflag:s18], $0x50  }
0x37: {  	[sflag:s18] =	ssyncset.done $0x0  }
0x38: {  	s28 =	sadd.s32 s26, s13;
	s26 =	smov.u32 s30;
	[sflag:s18] =	ssyncadd.s32 $0xFFFFFFB0  }
0x39: {  	[tilespmem:s19], [sflag:$0x1] =	stream.linear.gather [hbm4b:s28+s3], $0x50, $0x38;
	[tilespmem:$0x16180] =	vst v63  }
0x3a: {  	_ =	swait.ge [sflag:s18], $0x50  }
0x3b: {  	[sflag:s18] =	ssyncset.done $0x0  }
0x3c: {  	[sflag:s18] =	ssyncadd.s32 $0xFFFFFFB0  }
0x3d: {  	[tilespmem:s21], [sflag:$0x1] =	stream.indirect.gather [hbm4b:s4+s20], $0x80, s3, s20, $0xb8;
	[tilespmem:$0x16180] =	vst v63  }
0x3e: {  	_ =	swait.ge [sflag:s18], $0x2800  }
.Ltmp2:
0x3f: {  	[sflag:s18] =	ssyncset.done $0x0;
	(pc) =	sbr.rel @p5 .LBB2_2-.Ltmp2, $4  }
0x40: {  	[sflag:s18] =	ssyncadd.s32 $0xFFFFD800  }
0x41: {  	[spmem:s2] =	stream.indirect.scatter.add.f32 [tilespmem:s21], [sflag:$0x1], $0x80, s19, s20, $0xb8;
	[tilespmem:$0x16180] =	vst v63  }
0x42: {  	_ =	swait.ge [sflag:s18], $0x2800  }
0x43: {  	s28 =	smov.u32 s31;
	[sflag:s18] =	ssyncset.done $0x0  }
0x44: {  	s28 =	sadd.s32 s26, s14;
	[sflag:s18] =	ssyncadd.s32 $0xFFFFD800  }
0x45: {  	[tilespmem:s3], [sflag:$0x1] =	stream.linear.gather [hbm4b:s28+s3], $0x50, $0x38;
	[tilespmem:$0x16180] =	vst v63  }
0x46: {  	_ =	swait.ge [sflag:s18], $0x50  }
0x47: {  	[sflag:s18] =	ssyncset.done $0x0  }
0x48: {  	s31 =	sadd.s32 s26, s13;
	[sflag:s18] =	ssyncadd.s32 $0xFFFFFFB0  }
0x49: {  	[tilespmem:s19], [sflag:$0x1] =	stream.linear.gather [hbm4b:s31+s3], $0x50, $0x38;
	[tilespmem:$0x16180] =	vst v63  }
0x4a: {  	_ =	swait.ge [sflag:s18], $0x50  }
0x4b: {  	[sflag:s18] =	ssyncset.done $0x0  }
0x4c: {  	[sflag:s18] =	ssyncadd.s32 $0xFFFFFFB0  }
0x4d: {  	[tilespmem:s21], [sflag:$0x1] =	stream.indirect.gather [hbm4b:s4+s20], $0x80, s3, s20, $0xb8;
	[tilespmem:$0x16180] =	vst v63  }
0x4e: {  	_ =	swait.ge [sflag:s18], $0x2800  }
0x4f: {  	[sflag:s18] =	ssyncset.done $0x0  }
0x50: {  	[sflag:s18] =	ssyncadd.s32 $0xFFFFD800  }
0x51: {  	[spmem:s2] =	stream.indirect.scatter.add.f32 [tilespmem:s21], [sflag:$0x1], $0x80, s19, s20, $0xb8;
	[tilespmem:$0x16180] =	vst v63  }
0x52: {  	_ =	swait.ge [sflag:s18], $0x2800  }
0x53: {  	p5 =	por @!p4 $0x1, $0x1;
	p6 =	por p1, p1;
	[sflag:s18] =	ssyncset.done $0x0  }
0x54: {  	p6 =	por @!p4 p5, p5;
	[sflag:s18] =	ssyncadd.s32 $0xFFFFD800  }
0x55: {  	s26 =	simm.s32 @p2 $0x1;
	p5 =	por @!p3 !p6, !p0;
	[bflag:$0x0] =	sbarrier.arrive $0xFFFF  }
0x56: {  	[hbm:s10], [sflag:s22] =	dma.local @p2 [spmem:s23], $0x2700  }
0x57: {  	p5 =	por @!p3 !p5, !p5;
	_ =	swait.ge @p2 [sflag:s26], $0x2700  }
0x58: {  	s28 =	sshll.u32 @!p4 s0, $0x6;
	p5 =	por p3, p5;
	[sflag:s26] =	ssyncset.done @p2 $0x0  }
0x59: {  	[sflag:s26] =	ssyncadd.s32 @p2 $0xFFFFD900;
	s26 =	sor.u32 @!p4 $0x1C01, s28;
	s28 =	sshrl.u32 @!p4 s9, $0x3  }
0x5a: {  	[hbm:s11], [sflag:s26] =	dma.local @!p4 [spmem:s28], $0x2700  }
.Ltmp3:
0x5b: {  	_ = 	snop;
	(pc) =	sbr.rel @!p5 .LBB2_5-.Ltmp3, $4  }
0x5c: {  	s26 =	simm.s32 @!p4 $0x1  }
0x5d: {  	_ =	swait.ge @!p4 [sflag:s26], $0x2700  }
0x5e: {  	[sflag:s26] =	ssyncset.done @!p4 $0x0  }
0x5f: {  	[sflag:s26] =	ssyncadd.s32 @!p4 $0xFFFFD900  }
0x60: {  	s26 =	smov.u32 s7  }
0x61: {  	s26 =	smov.u32 @p3 s6  }
.Ltmp4:
0x62: {  	s28 =	sshrl.u32 s8, $0x3;
	s26 =	sadd.s32 $0x24900, s26;
	(pc) =	sbr.rel .LBB2_5-.Ltmp4, $4  }
0x63: {  	[hbm:s26], [sflag:s24] =	dma.local [spmem:s28], $0x2800  }
0x64: {  	_ =	swait.ge [sflag:s18], $0x2800  }
0x65: {  	[sflag:s18] =	ssyncset.done $0x0  }
0x66: {  	[sflag:s18] =	ssyncadd.s32 $0xFFFFD800  }
.LBB2_6:
0x67: {  	_ =	sfence.sel $0x180000  }
0x68: {  	[bflag:$0x0] =	sbarrier.arrive $0xFFFF  }
0x69: {  	p0 =	sne.s32 s0, $0x0;
	_ =	strace $0x9000004A  }
0x6a: {  	s0 =	sadd.s32 @!p0 $0x100000, s1;
	[bflag:$0x2] =	sbarrier.arrive $0xFFFF  }
0x6b: {  	[sflag:s0] =	ssyncadd.tile.s32 @!p0 $0x1;
	_ =	shalt  }
.Lfunc_end2:
_tile_overlayer_lowered:
.L_overlay_start_2:
0x6c: {  	(tag) =	ssettag $0x2  }
0x6d: {  	s0 =	rddreg [dreg:$0x0];
	s2 =	stileid.u32  }
0x6e: {  	s1 =	rddreg [dreg:$0x1];
	p0 =	sne.s32 s2, $0x0  }
0x6f: {  	s3 =	rddreg [dreg:$0x2];
	[bflag:$0x3] =	sbarrier.arrive $0xFFFF;
	s2 =	simm.s32 @!p0 $0x1C01  }
0x70: {  	[timem:s3], [sflag:s2] =	dma.local @!p0 [hbm:s0], s1  }
0x71: {  	s0 =	simm.s32 @!p0 $0x1  }
0x72: {  	_ =	swait.ge @!p0 [sflag:s0], s1  }
0x73: {  	s1 =	ssub.s32 @!p0 $0x0, s1;
	[sflag:s0] =	ssyncset.done @!p0 $0x0  }
0x74: {  	[sflag:s0] =	ssyncadd.s32 @!p0 s1  }
0x75: {  	[bflag:$0x3] =	sbarrier.arrive $0xFFFF  }
0x76: {  	_ =	shalt  }

// kernel: kernel.16.cloned.1.call-start
scs
__scs_entry_jumppad:
0x0: {  	(pc) =	sbr.rel $0x88, $3  }
0x1: {  	(tag) =	ssettag $0x0;
	lr =	simm.s32 $0x1  }
0x2: {  	[smem:$0x3F95] =	sst lr;
	_ =	strace $0xD0000000  }
0x3: {  	_ = 	snop  }
0x4: {  	_ = 	snop  }
0x5: {  	_ = 	snop  }
0x6: {  	_ = 	snop  }
0x7: {  	_ = 	snop  }
__scs_overlays_trampoline_lowered:
0x8: {  	[smem:$0x3FA4] =	sst s0  }
0x9: {  	[smem:$0x3FA5] =	sst s1  }
0xa: {  	[smem:$0x3FA6] =	sst s2  }
0xb: {  	[smem:$0x3FA7] =	sst s3  }
0xc: {  	[smem:$0x3FA8] =	sst s4  }
0xd: {  	[smem:$0x3FA9] =	sst s5  }
0xe: {  	[smem:$0x3FAA] =	sst s6  }
0xf: {  	[smem:$0x3FAB] =	sst s7  }
0x10: {  	[smem:$0x3FAC] =	sst s8  }
0x11: {  	[smem:$0x3FAD] =	sst s9;
	s0 =	simm.s32 @!p0 $0x0  }
0x12: {  	s1 =	sld [smem:$0x3F93];
	s0 =	simm.s32 @p0 $0x1  }
0x13: {  	[smem:$0x3FAE] =	sst s0;
	s0 =	simm.s32 @!p1 $0x0  }
0x14: {  	s2 =	sld [smem:$0x3F92];
	s0 =	simm.s32 @p1 $0x1  }
0x15: {  	[smem:$0x3FAF] =	sst s0;
	s0 =	simm.s32 @!p2 $0x0  }
0x16: {  	s3 =	sld [smem:$0x3FDB];
	s0 =	simm.s32 @p2 $0x1  }
0x17: {  	s4 =	simm.s32 $0x1BF5;
	[smem:$0x3FB1] =	sst s0  }
0x18: {  	s0 =	sld [smem:$0x3F94];
	_ =	swait.ge [sflag:s4], $0x0  }
0x19: {  	s7 =	sld [smem:$0x3F95]  }
0x1a: {  	s8 =	sadd.s32 $0xFFFFE003, lr  }
0x1b: {  	s9 =	sadd.s32 $0xFFFFFEF7, lr;
	s5 =	simm.s32 $0xFFFFFFFF;
	p2 =	slt.u32 s8, $0xFFFFF086  }
0x1c: {  	p1 =	slt.u32 s9, $0xF7A;
	s5 =	simm.s32 @!p2 $0x0  }
0x1d: {  	s5 =	simm.s32 @p1 $0x1;
	p0 =	seq.s32 s7, s2  }
0x1e: {  	s7 =	smul.u32 @!p0 $0xF7A, s2;
	p2 =	seq.s32 @!p0 s5, $0x0  }
0x1f: {  	s9 =	smul.u32 $0xF7A, s1;
	s8 =	simm.s32 @!p0 $0x1BF5;
	p2 =	por !p2, p0  }
0x20: {  	[sflag:s8] =	ssyncset.s32 @!p0 $0xFFFFF086;
	s6 =	sadd.s32 @!p0 s3, s7;
	s7 =	simm.s32 @!p0 $0x108  }
0x21: {  	s3 =	sadd.s32 s3, s9;
	s6 =	sadd.s32 @!p0 $0x88, s6;
	s7 =	simm.s32 @p2 $0x1082  }
0x22: {  	[simem:s7], [sflag:s8] =	dma.local @!p0 [hbm:s6], $0xF7A  }
0x23: {  	s9 =	sor.u32 $0xD0000000, s2;
	s6 =	simm.s32 $0x108;
	_ =	swait.ge @!p0 [sflag:s8], $0x0  }
0x24: {  	s3 =	sadd.s32 $0x88, s3;
	s6 =	simm.s32 @!p1 $0x1082;
	[sflag:s4] =	ssyncset.s32 $0xFFFFF086  }
0x25: {  	[simem:s6], [sflag:s4] =	dma.local [hbm:s3], $0xF7A  }
0x26: {  	[smem:$0x3F95] =	sst s1;
	(tag) =	ssettag s2;
	_ =	strace s9  }
0x27: {  	s1 =	sld [smem:$0x3FA5]  }
0x28: {  	s2 =	sld [smem:$0x3FA6]  }
0x29: {  	s4 =	sld [smem:$0x3FA8]  }
0x2a: {  	p0 =	seq.s32 s5, $0x0;
	s5 =	sld [smem:$0x3FA9]  }
0x2b: {  	s6 =	sld [smem:$0x3FAA]  }
0x2c: {  	s7 =	sld [smem:$0x3FAB]  }
0x2d: {  	s3 =	simm.s32 $0x108;
	s8 =	sld [smem:$0x3FAC]  }
0x2e: {  	s3 =	simm.s32 @!p0 $0x1082;
	s9 =	sld [smem:$0x3FAD]  }
0x2f: {  	lr =	sadd.s32 s0, s3;
	s0 =	sld [smem:$0x3FA4]  }
0x30: {  	s3 =	sld [smem:$0x3FA7]  }
0x31: {  	[smem:$0x3FB0] =	sst s10  }
0x32: {  	s10 =	sld [smem:$0x3FAE];
	_ =	sdelay $0x3  }
0x33: {  	p0 =	seq.s32 s10, $0x1;
	s10 =	sld [smem:$0x3FB0];
	_ =	sdelay $0x3  }
0x34: {  	[smem:$0x3FB0] =	sst s10  }
0x35: {  	s10 =	sld [smem:$0x3FAF];
	_ =	sdelay $0x3  }
0x36: {  	p1 =	seq.s32 s10, $0x1;
	s10 =	sld [smem:$0x3FB0];
	_ =	sdelay $0x3  }
0x37: {  	[smem:$0x3FB0] =	sst s10  }
0x38: {  	s10 =	sld [smem:$0x3FB1]  }
0x39: {  	_ = 	snop;
	(pc) =	sbr.ind lr, $3  }
0x3a: {  	_ = 	snop  }
0x3b: {  	_ = 	snop  }
0x3c: {  	p2 =	seq.s32 s10, $0x1;
	s10 =	sld [smem:$0x3FB0]  }
0x3d: {  	_ =	shalt  }
0x3e: {  	_ =	shalt  }
0x3f: {  	_ =	shalt  }
0x40: {  	_ =	shalt  }
0x41: {  	_ =	shalt  }
0x42: {  	_ =	shalt  }
0x43: {  	_ =	shalt  }
0x44: {  	_ =	shalt  }
0x45: {  	_ =	shalt  }
0x46: {  	_ =	shalt  }
0x47: {  	_ =	shalt  }
0x48: {  	_ =	shalt  }
0x49: {  	_ =	shalt  }
0x4a: {  	_ =	shalt  }
0x4b: {  	_ =	shalt  }
0x4c: {  	_ =	shalt  }
0x4d: {  	_ =	shalt  }
0x4e: {  	_ =	shalt  }
0x4f: {  	_ =	shalt  }
0x50: {  	_ =	shalt  }
0x51: {  	_ =	shalt  }
0x52: {  	_ =	shalt  }
0x53: {  	_ =	shalt  }
0x54: {  	_ =	shalt  }
0x55: {  	_ =	shalt  }
0x56: {  	_ =	shalt  }
0x57: {  	_ =	shalt  }
0x58: {  	_ =	shalt  }
0x59: {  	_ =	shalt  }
0x5a: {  	_ =	shalt  }
0x5b: {  	_ =	shalt  }
0x5c: {  	_ =	shalt  }
0x5d: {  	_ =	shalt  }
0x5e: {  	_ =	shalt  }
0x5f: {  	_ =	shalt  }
0x60: {  	_ =	shalt  }
0x61: {  	_ =	shalt  }
0x62: {  	_ =	shalt  }
0x63: {  	_ =	shalt  }
0x64: {  	_ =	shalt  }
0x65: {  	_ =	shalt  }
0x66: {  	_ =	shalt  }
0x67: {  	_ =	shalt  }
0x68: {  	_ =	shalt  }
0x69: {  	_ =	shalt  }
0x6a: {  	_ =	shalt  }
0x6b: {  	_ =	shalt  }
0x6c: {  	_ =	shalt  }
0x6d: {  	_ =	shalt  }
0x6e: {  	_ =	shalt  }
0x6f: {  	_ =	shalt  }
0x70: {  	_ =	shalt  }
0x71: {  	_ =	shalt  }
0x72: {  	_ =	shalt  }
0x73: {  	_ =	shalt  }
0x74: {  	_ =	shalt  }
0x75: {  	_ =	shalt  }
0x76: {  	_ =	shalt  }
0x77: {  	_ =	shalt  }
0x78: {  	_ =	shalt  }
0x79: {  	_ =	shalt  }
0x7a: {  	_ =	shalt  }
0x7b: {  	_ =	shalt  }
0x7c: {  	_ =	shalt  }
0x7d: {  	_ =	shalt  }
0x7e: {  	_ =	shalt  }
0x7f: {  	_ =	shalt  }
0x80: {  	_ =	shalt  }
0x81: {  	_ =	shalt  }
0x82: {  	_ =	shalt  }
0x83: {  	_ =	shalt  }
0x84: {  	_ =	shalt  }
0x85: {  	_ =	shalt  }
0x86: {  	_ =	shalt  }
0x87: {  	_ =	shalt  }
.Lfunc_end0:
.L_simem_size_0:
called_computation.2_lowered:
.L_overlay_start_0:
0x88: {  	s2 =	sld [smem:$0x3FD9]  }
0x89: {  	s3 =	sld [smem:$0x3FFE];
	_ =	sdelay $0x1  }
0x8a: {  	s1 =	srdreg.scid  }
0x8b: {  	s0 =	sand.u32 $0x1, s1  }
0x8c: {  	s16 =	sshll.u32 s0, $0xA;
	s2 =	sadd.s32 s3, s2  }
0x8d: {  	s2 =	sadd.s32 s2, s16  }
0x8e: {  	[smem:$0x3FBC] =	sst s2  }
0x8f: {  	_ = 	snop  }
0x90: {  	(tm) =	ssettm $0x1  }
0x91: {  	s17 =	sld [smem:$0x3FFB];
	_ =	sdelay $0x3  }
0x92: {  	_ =	strace s17  }
0x93: {  	s2 =	sld [smem:$0x3FFC];
	_ =	sdelay $0x3  }
0x94: {  	_ =	strace s2  }
0x95: {  	s2 =	sld [smem:$0x3FFD];
	_ =	sdelay $0x3  }
0x96: {  	_ =	strace s2  }
0x97: {  	_ =	strace $0x8FFFFFFF  }
0x98: {  	s18 =	sld [smem:$0x3FDB];
	_ =	sdelay $0x1  }
0x99: {  	s19 =	simm.s32 $_scs_section_size  }
0x9a: {  	s4 =	simm.s32 $_size__tile_overlayer_lowered;
	s5 =	simm.s32 $_tile_overlayer_lowered  }
0x9b: {  	s22 =	simm.s32 $0x1BFF;
	s21 =	sshll.u32 s5, $0x1;
	s2 =	sadd.s32 s19, s18  }
0x9c: {  	s6 =	simm.s32 $0x0;
	s20 =	sshll.u32 s4, $0x1;
	s4 =	sadd.s32 s21, s2  }
0x9d: {  	[timem:s6], [sflag:s22] =	dma.local [hbm:s4], s20  }
0x9e: {  	_ =	swait.ge [sflag:s22], s20  }
0x9f: {  	s3 =	ssub.s32 $0x0, s20;
	[sflag:s22] =	ssyncset.done $0x0  }
0xa0: {  	[sflag:s22] =	ssyncadd.s32 s3;
	_ =	sdelay $0x1  }
0xa1: {  	s23 =	simm.s32 $0x1B8B  }
0xa2: {  	_ =	swait.ge [sflag:s23], $0x1  }
0xa3: {  	[sflag:s23] =	ssyncset.done $0x0  }
0xa4: {  	s25 =	simm.s32 $0x1B8E;
	s24 =	sld [smem:$0x3FFE];
	[sflag:s23] =	ssyncadd.s32 $0xFFFFFFFF  }
0xa5: {  	s26 =	simm.s32 $execute0_lowered;
	[smem:$0x3FD2] =	sst s25  }
0xa6: {  	s4 =	sshll.u32 s26, $0x1;
	_ =	strace $0x8000004C;
	[dreg:$0x1] =	wrdreg $0xFFFFFFFF  }
0xa7: {  	s28 =	simm.s32 $_size_execute0_lowered;
	s2 =	sadd.s32 s2, s4;
	[dreg:$0x0] =	wrdreg $0x0  }
0xa8: {  	s4 =	sshll.u32 s28, $0x1;
	[dreg:$0x2] =	wrdreg s2  }
0xa9: {  	[dreg:$0x3] =	wrdreg s4  }
0xaa: {  	[dreg:$0x4] =	wrdreg $0xC0  }
0xab: {  	_ =	task [dreg:s6], $0x5FFFF  }
0xac: {  	[dreg:$0x1] =	wrdreg $0xFFFFFFFF  }
0xad: {  	[dreg:$0x0] =	wrdreg $0x60  }
0xae: {  	[dreg:$0x2] =	wrdreg s24  }
0xaf: {  	[dreg:$0x3] =	wrdreg $0x29000  }
0xb0: {  	[dreg:$0x4] =	wrdreg $0x9  }
0xb1: {  	_ =	task.clear_ibuf [dreg:s6], $0x5FFFF;
	_ =	strace $0x9000004C  }
0xb2: {  	s29 =	simm.s32 $0x9;
	_ =	strace $0x8000004E  }
0xb3: {  	_ =	swait.ge [sflag:s29], $0x1  }
0xb4: {  	[sflag:s29] =	ssyncadd.s32 $0xFFFFFFFF  }
0xb5: {  	_ =	strace $0x9000004E  }
0xb6: {  	_ =	sfence  }
0xb7: {  	s30 =	sld [smem:$0x0];
	_ =	sdelay $0x2  }
0xb8: {  	s31 =	sshll.u32 s1, $0xD;
	s1 =	sshrl.u32 s1, $0x2  }
0xb9: {  	s3 =	sand.u32 $0x4000, s31;
	s1 =	sadd.s32 s1, s30  }
0xba: {  	s0 =	sor.u32 s3, s0;
	s1 =	sshll.u32 s1, $0x11  }
0xbb: {  	s0 =	sor.u32 s1, s0  }
0xbc: {  	s0 =	sadd.s32 $0x8F2B, s0  }
0xbd: {  	[sflag:s0] =	ssyncadd.remote.s32 $0x1  }
0xbe: {  	_ =	sfence.sel $0xFFFF  }
0xbf: {  	[dreg:$0x0] =	wrdreg $0xFFFFFFFF;
	(pc) =	sbr.abs _section_cstart, $3  }
0xc0: {  	[dreg:$0x1] =	wrdreg $0xFFFFFFFF  }
0xc1: {  	_ =	task.clear_ibuf [dreg:s6], $0x2FFFF;
	_ =	strace $0x9FFFFFFF  }
0xc2: {  	(tm) =	ssettm $0x7FFFFFFF  }
0xc3: {  	_ =	shalt  }
tec
execute0_lowered:
.L_overlay_start_1:
0x0: {  	(tag) =	ssettag $0x1  }
0x1: {  	s7 =	rddreg [dreg:$0x0]  }
0x2: {  	s2 =	rddreg [dreg:$0x1]  }
0x3: {  	s0 =	srdreg.scid;
	s1 =	rddreg [dreg:$0x2];
	s3 =	simm.s32 $0x0  }
0x4: {  	s18 =	simm.s32 $0x1;
	s19 =	simm.s32 $0x80;
	s20 =	simm.s32 $0x50  }
0x5: {  	s21 =	simm.s32 $0x100;
	s24 =	simm.s32 $0x1FC1;
	s10 =	sand.u32 $0x1, s0  }
0x6: {  	s25 =	simm.s32 $0x0;
	s0 =	stileid.u32;
	s4 =	smul.u32 $0x27100, s10  }
0x7: {  	[smem:$0x7FF] =	sst s3;
	s6 =	sadd.s32 $0x69600, s7;
	s5 =	smul.u32 $0x2710, s0  }
0x8: {  	_ =	strace $0x8000004D;
	s8 =	ssub.s32 $0x2, s10;
	s11 =	smul.u32 $0x4E000, s0  }
0x9: {  	p0 =	seq.s32 s0, $0xF;
	p3 =	sne.s32 s0, $0xF;
	p4 =	seq.s32 s10, $0x0  }
0xa: {  	s31 =	smul.u32 $0x2700, s0;
	p1 =	seq.s32 s10, $0x1;
	s9 =	sshrl.u32 s8, $0x1  }
0xb: {  	p2 =	por !p4, !p3;
	p4 =	por !p4, !p0;
	p5 =	por !p3, !p1  }
0xc: {  	s16 =	sshll.u32 @!p0 s0, $0x6;
	s4 =	sadd.s32 s5, s4;
	s12 =	ssub.s32 s8, s9  }
0xd: {  	s30 =	sshrl.u32 s11, $0x2;
	s8 =	sadd.s32 $0x124800, s2;
	p2 =	por !p2, !p2  }
0xe: {  	s10 =	sadd.s32 s6, s31;
	p3 =	por !p4, !p4;
	p6 =	por !p5, !p5  }
0xf: {  	s16 =	sor.u32 @!p0 $0x1C01, s16;
	s5 =	sshrl.u32 s4, $0x3;
	s4 =	sadd.s32 $0x18A00, s7  }
.Ltmp0:
0x10: {  	s9 =	sadd.s32 s30, s2;
	s12 =	smax.u32 s12, $0x1;
	(pc) =	sbr.rel .LBB2_1-.Ltmp0, $4  }
0x11: {  	s15 =	sshrl.u32 @p0 s8, $0x3;
	s22 =	sshll.u32 @p2 s0, $0x6;
	p4 =	por !p6, p3  }
0x12: {  	s14 =	sadd.s32 s5, s7;
	s5 =	sadd.s32 $0x66E00, s7;
	s7 =	sadd.s32 $0x90800, s7  }
0x13: {  	s17 =	sshrl.u32 @!p0 s9, $0x3;
	s22 =	sor.u32 @p2 $0x1C01, s22;
	s23 =	sshrl.u32 @p2 s9, $0x3  }
0x14: {  	s11 =	sadd.s32 s7, s31;
	s13 =	sadd.s32 $0xEC00, s14;
	s14 =	sadd.s32 $0x4E00, s14  }
.LBB2_5:
0x15: {  	s25 =	sadd.s32 $0x1, s25  }
0x16: {  	p5 =	sne.s32 s25, s12  }
.Ltmp1:
0x17: {  	_ = 	snop;
	(pc) =	sbr.rel @!p5 .LBB2_6-.Ltmp1, $1  }
0x18: {  	_ =	sdelay $0x3  }
.LBB2_1:
0x19: {  	s26 =	simm.s32 @p0 $0x1FC1  }
0x1a: {  	[spmem:s15], [sflag:s26] =	dma.local @p0 [hbm:s5], $0x2800  }
0x1b: {  	s26 =	simm.s32 @p0 $0x1  }
0x1c: {  	_ =	swait.ge @p0 [sflag:s26], $0x2800  }
0x1d: {  	[sflag:s26] =	ssyncset.done @p0 $0x0  }
0x1e: {  	[sflag:s26] =	ssyncadd.s32 @p0 $0xFFFFD800;
	s26 =	simm.s32 @!p0 $0x1  }
0x1f: {  	[spmem:s17], [sflag:s16] =	dma.local @!p0 [hbm:s5], $0x2700  }
0x20: {  	_ =	swait.ge @!p0 [sflag:s26], $0x2700  }
0x21: {  	[sflag:s26] =	ssyncset.done @!p0 $0x0  }
0x22: {  	[sflag:s26] =	ssyncadd.s32 @!p0 $0xFFFFD900  }
0x23: {  	s30 =	sadd.s32 $0x0, s14;
	[bflag:$0x0] =	sbarrier.arrive $0xFFFF  }
0x24: {  	[tilespmem:s3], [sflag:$0x1] =	stream.linear.gather [hbm4b:s30+s3], $0x50, $0x38;
	[tilespmem:$0x16180] =	vst v63  }
0x25: {  	_ =	swait.ge [sflag:s18], $0x50  }
0x26: {  	[sflag:s18] =	ssyncset.done $0x0  }
0x27: {  	s31 =	sadd.s32 $0x0, s13;
	[sflag:s18] =	ssyncadd.s32 $0xFFFFFFB0  }
0x28: {  	[tilespmem:s19], [sflag:$0x1] =	stream.linear.gather [hbm4b:s31+s3], $0x50, $0x38;
	[tilespmem:$0x16180] =	vst v63  }
0x29: {  	_ =	swait.ge [sflag:s18], $0x50  }
0x2a: {  	[sflag:s18] =	ssyncset.done $0x0  }
0x2b: {  	[sflag:s18] =	ssyncadd.s32 $0xFFFFFFB0  }
0x2c: {  	[tilespmem:s21], [sflag:$0x1] =	stream.indirect.gather [hbm4b:s4+s20], $0x80, s3, s20, $0xb8;
	[tilespmem:$0x16180] =	vst v63  }
0x2d: {  	_ =	swait.ge [sflag:s18], $0x2800  }
0x2e: {  	[sflag:s18] =	ssyncset.done $0x0  }
0x2f: {  	[sflag:s18] =	ssyncadd.s32 $0xFFFFD800  }
0x30: {  	[spmem:s2] =	stream.indirect.scatter.add.f32 [tilespmem:s21], [sflag:$0x1], $0x80, s19, s20, $0xb8;
	[tilespmem:$0x16180] =	vst v63  }
0x31: {  	_ =	swait.ge [sflag:s18], $0x2800  }
0x32: {  	s28 =	simm.s32 $0x14;
	s26 =	simm.s32 $0xA;
	[sflag:s18] =	ssyncset.done $0x0  }
.LBB2_2:
0x33: {  	s29 =	sadd.s32 s26, s14  }
0x34: {  	[sflag:s18] =	ssyncadd.s32 $0xFFFFD800;
	s30 =	smov.u32 s28;
	s31 =	sadd.s32 $0xA, s28  }
0x35: {  	[tilespmem:s3], [sflag:$0x1] =	stream.linear.gather [hbm4b:s29+s3], $0x50, $0x38;
	[tilespmem:$0x16180] =	vst v63  }
0x36: {  	p5 =	sne.s32 s28, $0x4D8;
	_ =	swait.ge [sflag:s18], $0x50  }
0x37: {  	[sflag:s18] =	ssyncset.done $0x0  }
0x38: {  	s28 =	sadd.s32 s26, s13;
	s26 =	smov.u32 s30;
	[sflag:s18] =	ssyncadd.s32 $0xFFFFFFB0  }
0x39: {  	[tilespmem:s19], [sflag:$0x1] =	stream.linear.gather [hbm4b:s28+s3], $0x50, $0x38;
	[tilespmem:$0x16180] =	vst v63  }
0x3a: {  	_ =	swait.ge [sflag:s18], $0x50  }
0x3b: {  	[sflag:s18] =	ssyncset.done $0x0  }
0x3c: {  	[sflag:s18] =	ssyncadd.s32 $0xFFFFFFB0  }
0x3d: {  	[tilespmem:s21], [sflag:$0x1] =	stream.indirect.gather [hbm4b:s4+s20], $0x80, s3, s20, $0xb8;
	[tilespmem:$0x16180] =	vst v63  }
0x3e: {  	_ =	swait.ge [sflag:s18], $0x2800  }
.Ltmp2:
0x3f: {  	[sflag:s18] =	ssyncset.done $0x0;
	(pc) =	sbr.rel @p5 .LBB2_2-.Ltmp2, $4  }
0x40: {  	[sflag:s18] =	ssyncadd.s32 $0xFFFFD800  }
0x41: {  	[spmem:s2] =	stream.indirect.scatter.add.f32 [tilespmem:s21], [sflag:$0x1], $0x80, s19, s20, $0xb8;
	[tilespmem:$0x16180] =	vst v63  }
0x42: {  	_ =	swait.ge [sflag:s18], $0x2800  }
0x43: {  	s28 =	smov.u32 s31;
	[sflag:s18] =	ssyncset.done $0x0  }
0x44: {  	s28 =	sadd.s32 s26, s14;
	[sflag:s18] =	ssyncadd.s32 $0xFFFFD800  }
0x45: {  	[tilespmem:s3], [sflag:$0x1] =	stream.linear.gather [hbm4b:s28+s3], $0x50, $0x38;
	[tilespmem:$0x16180] =	vst v63  }
0x46: {  	_ =	swait.ge [sflag:s18], $0x50  }
0x47: {  	[sflag:s18] =	ssyncset.done $0x0  }
0x48: {  	s31 =	sadd.s32 s26, s13;
	[sflag:s18] =	ssyncadd.s32 $0xFFFFFFB0  }
0x49: {  	[tilespmem:s19], [sflag:$0x1] =	stream.linear.gather [hbm4b:s31+s3], $0x50, $0x38;
	[tilespmem:$0x16180] =	vst v63  }
0x4a: {  	_ =	swait.ge [sflag:s18], $0x50  }
0x4b: {  	[sflag:s18] =	ssyncset.done $0x0  }
0x4c: {  	[sflag:s18] =	ssyncadd.s32 $0xFFFFFFB0  }
0x4d: {  	[tilespmem:s21], [sflag:$0x1] =	stream.indirect.gather [hbm4b:s4+s20], $0x80, s3, s20, $0xb8;
	[tilespmem:$0x16180] =	vst v63  }
0x4e: {  	_ =	swait.ge [sflag:s18], $0x2800  }
0x4f: {  	[sflag:s18] =	ssyncset.done $0x0  }
0x50: {  	[sflag:s18] =	ssyncadd.s32 $0xFFFFD800  }
0x51: {  	[spmem:s2] =	stream.indirect.scatter.add.f32 [tilespmem:s21], [sflag:$0x1], $0x80, s19, s20, $0xb8;
	[tilespmem:$0x16180] =	vst v63  }
0x52: {  	_ =	swait.ge [sflag:s18], $0x2800  }
0x53: {  	p5 =	por @!p4 $0x1, $0x1;
	p6 =	por p1, p1;
	[sflag:s18] =	ssyncset.done $0x0  }
0x54: {  	p6 =	por @!p4 p5, p5;
	[sflag:s18] =	ssyncadd.s32 $0xFFFFD800  }
0x55: {  	s26 =	simm.s32 @p2 $0x1;
	p5 =	por @!p3 !p6, !p0;
	[bflag:$0x0] =	sbarrier.arrive $0xFFFF  }
0x56: {  	[hbm:s10], [sflag:s22] =	dma.local @p2 [spmem:s23], $0x2700  }
0x57: {  	p5 =	por @!p3 !p5, !p5;
	_ =	swait.ge @p2 [sflag:s26], $0x2700  }
0x58: {  	s28 =	sshll.u32 @!p4 s0, $0x6;
	p5 =	por p3, p5;
	[sflag:s26] =	ssyncset.done @p2 $0x0  }
0x59: {  	[sflag:s26] =	ssyncadd.s32 @p2 $0xFFFFD900;
	s26 =	sor.u32 @!p4 $0x1C01, s28;
	s28 =	sshrl.u32 @!p4 s9, $0x3  }
0x5a: {  	[hbm:s11], [sflag:s26] =	dma.local @!p4 [spmem:s28], $0x2700  }
.Ltmp3:
0x5b: {  	_ = 	snop;
	(pc) =	sbr.rel @!p5 .LBB2_5-.Ltmp3, $4  }
0x5c: {  	s26 =	simm.s32 @!p4 $0x1  }
0x5d: {  	_ =	swait.ge @!p4 [sflag:s26], $0x2700  }
0x5e: {  	[sflag:s26] =	ssyncset.done @!p4 $0x0  }
0x5f: {  	[sflag:s26] =	ssyncadd.s32 @!p4 $0xFFFFD900  }
0x60: {  	s26 =	smov.u32 s7  }
0x61: {  	s26 =	smov.u32 @p3 s6  }
.Ltmp4:
0x62: {  	s28 =	sshrl.u32 s8, $0x3;
	s26 =	sadd.s32 $0x24900, s26;
	(pc) =	sbr.rel .LBB2_5-.Ltmp4, $4  }
0x63: {  	[hbm:s26], [sflag:s24] =	dma.local [spmem:s28], $0x2800  }
0x64: {  	_ =	swait.ge [sflag:s18], $0x2800  }
0x65: {  	[sflag:s18] =	ssyncset.done $0x0  }
0x66: {  	[sflag:s18] =	ssyncadd.s32 $0xFFFFD800  }
.LBB2_6:
0x67: {  	_ =	sfence.sel $0x180000  }
0x68: {  	[bflag:$0x0] =	sbarrier.arrive $0xFFFF  }
0x69: {  	p0 =	sne.s32 s0, $0x0;
	_ =	strace $0x9000004D  }
0x6a: {  	s0 =	sadd.s32 @!p0 $0x100000, s1;
	[bflag:$0x2] =	sbarrier.arrive $0xFFFF  }
0x6b: {  	[sflag:s0] =	ssyncadd.tile.s32 @!p0 $0x1;
	_ =	shalt  }
.Lfunc_end2:
_tile_overlayer_lowered:
.L_overlay_start_2:
0x6c: {  	(tag) =	ssettag $0x2  }
0x6d: {  	s0 =	rddreg [dreg:$0x0];
	s2 =	stileid.u32  }
0x6e: {  	s1 =	rddreg [dreg:$0x1];
	p0 =	sne.s32 s2, $0x0  }
0x6f: {  	s3 =	rddreg [dreg:$0x2];
	[bflag:$0x3] =	sbarrier.arrive $0xFFFF;
	s2 =	simm.s32 @!p0 $0x1C01  }
0x70: {  	[timem:s3], [sflag:s2] =	dma.local @!p0 [hbm:s0], s1  }
0x71: {  	s0 =	simm.s32 @!p0 $0x1  }
0x72: {  	_ =	swait.ge @!p0 [sflag:s0], s1  }
0x73: {  	s1 =	ssub.s32 @!p0 $0x0, s1;
	[sflag:s0] =	ssyncset.done @!p0 $0x0  }
0x74: {  	[sflag:s0] =	ssyncadd.s32 @!p0 s1  }
0x75: {  	[bflag:$0x3] =	sbarrier.arrive $0xFFFF  }
0x76: {  	_ =	shalt  }

// kernel: kernel.19.cloned.1.call-start
scs
__scs_entry_jumppad:
0x0: {  	(pc) =	sbr.rel $0x88, $3  }
0x1: {  	(tag) =	ssettag $0x0;
	lr =	simm.s32 $0x1  }
0x2: {  	[smem:$0x3F95] =	sst lr;
	_ =	strace $0xD0000000  }
0x3: {  	_ = 	snop  }
0x4: {  	_ = 	snop  }
0x5: {  	_ = 	snop  }
0x6: {  	_ = 	snop  }
0x7: {  	_ = 	snop  }
__scs_overlays_trampoline_lowered:
0x8: {  	[smem:$0x3FA4] =	sst s0  }
0x9: {  	[smem:$0x3FA5] =	sst s1  }
0xa: {  	[smem:$0x3FA6] =	sst s2  }
0xb: {  	[smem:$0x3FA7] =	sst s3  }
0xc: {  	[smem:$0x3FA8] =	sst s4  }
0xd: {  	[smem:$0x3FA9] =	sst s5  }
0xe: {  	[smem:$0x3FAA] =	sst s6  }
0xf: {  	[smem:$0x3FAB] =	sst s7  }
0x10: {  	[smem:$0x3FAC] =	sst s8  }
0x11: {  	[smem:$0x3FAD] =	sst s9;
	s0 =	simm.s32 @!p0 $0x0  }
0x12: {  	s1 =	sld [smem:$0x3F93];
	s0 =	simm.s32 @p0 $0x1  }
0x13: {  	[smem:$0x3FAE] =	sst s0;
	s0 =	simm.s32 @!p1 $0x0  }
0x14: {  	s2 =	sld [smem:$0x3F92];
	s0 =	simm.s32 @p1 $0x1  }
0x15: {  	[smem:$0x3FAF] =	sst s0;
	s0 =	simm.s32 @!p2 $0x0  }
0x16: {  	s3 =	sld [smem:$0x3FDB];
	s0 =	simm.s32 @p2 $0x1  }
0x17: {  	s4 =	simm.s32 $0x1BF5;
	[smem:$0x3FB1] =	sst s0  }
0x18: {  	s0 =	sld [smem:$0x3F94];
	_ =	swait.ge [sflag:s4], $0x0  }
0x19: {  	s7 =	sld [smem:$0x3F95]  }
0x1a: {  	s8 =	sadd.s32 $0xFFFFE003, lr  }
0x1b: {  	s9 =	sadd.s32 $0xFFFFFEF7, lr;
	s5 =	simm.s32 $0xFFFFFFFF;
	p2 =	slt.u32 s8, $0xFFFFF086  }
0x1c: {  	p1 =	slt.u32 s9, $0xF7A;
	s5 =	simm.s32 @!p2 $0x0  }
0x1d: {  	s5 =	simm.s32 @p1 $0x1;
	p0 =	seq.s32 s7, s2  }
0x1e: {  	s7 =	smul.u32 @!p0 $0xF7A, s2;
	p2 =	seq.s32 @!p0 s5, $0x0  }
0x1f: {  	s9 =	smul.u32 $0xF7A, s1;
	s8 =	simm.s32 @!p0 $0x1BF5;
	p2 =	por !p2, p0  }
0x20: {  	[sflag:s8] =	ssyncset.s32 @!p0 $0xFFFFF086;
	s6 =	sadd.s32 @!p0 s3, s7;
	s7 =	simm.s32 @!p0 $0x108  }
0x21: {  	s3 =	sadd.s32 s3, s9;
	s6 =	sadd.s32 @!p0 $0x88, s6;
	s7 =	simm.s32 @p2 $0x1082  }
0x22: {  	[simem:s7], [sflag:s8] =	dma.local @!p0 [hbm:s6], $0xF7A  }
0x23: {  	s9 =	sor.u32 $0xD0000000, s2;
	s6 =	simm.s32 $0x108;
	_ =	swait.ge @!p0 [sflag:s8], $0x0  }
0x24: {  	s3 =	sadd.s32 $0x88, s3;
	s6 =	simm.s32 @!p1 $0x1082;
	[sflag:s4] =	ssyncset.s32 $0xFFFFF086  }
0x25: {  	[simem:s6], [sflag:s4] =	dma.local [hbm:s3], $0xF7A  }
0x26: {  	[smem:$0x3F95] =	sst s1;
	(tag) =	ssettag s2;
	_ =	strace s9  }
0x27: {  	s1 =	sld [smem:$0x3FA5]  }
0x28: {  	s2 =	sld [smem:$0x3FA6]  }
0x29: {  	s4 =	sld [smem:$0x3FA8]  }
0x2a: {  	p0 =	seq.s32 s5, $0x0;
	s5 =	sld [smem:$0x3FA9]  }
0x2b: {  	s6 =	sld [smem:$0x3FAA]  }
0x2c: {  	s7 =	sld [smem:$0x3FAB]  }
0x2d: {  	s3 =	simm.s32 $0x108;
	s8 =	sld [smem:$0x3FAC]  }
0x2e: {  	s3 =	simm.s32 @!p0 $0x1082;
	s9 =	sld [smem:$0x3FAD]  }
0x2f: {  	lr =	sadd.s32 s0, s3;
	s0 =	sld [smem:$0x3FA4]  }
0x30: {  	s3 =	sld [smem:$0x3FA7]  }
0x31: {  	[smem:$0x3FB0] =	sst s10  }
0x32: {  	s10 =	sld [smem:$0x3FAE];
	_ =	sdelay $0x3  }
0x33: {  	p0 =	seq.s32 s10, $0x1;
	s10 =	sld [smem:$0x3FB0];
	_ =	sdelay $0x3  }
0x34: {  	[smem:$0x3FB0] =	sst s10  }
0x35: {  	s10 =	sld [smem:$0x3FAF];
	_ =	sdelay $0x3  }
0x36: {  	p1 =	seq.s32 s10, $0x1;
	s10 =	sld [smem:$0x3FB0];
	_ =	sdelay $0x3  }
0x37: {  	[smem:$0x3FB0] =	sst s10  }
0x38: {  	s10 =	sld [smem:$0x3FB1]  }
0x39: {  	_ = 	snop;
	(pc) =	sbr.ind lr, $3  }
0x3a: {  	_ = 	snop  }
0x3b: {  	_ = 	snop  }
0x3c: {  	p2 =	seq.s32 s10, $0x1;
	s10 =	sld [smem:$0x3FB0]  }
0x3d: {  	_ =	shalt  }
0x3e: {  	_ =	shalt  }
0x3f: {  	_ =	shalt  }
0x40: {  	_ =	shalt  }
0x41: {  	_ =	shalt  }
0x42: {  	_ =	shalt  }
0x43: {  	_ =	shalt  }
0x44: {  	_ =	shalt  }
0x45: {  	_ =	shalt  }
0x46: {  	_ =	shalt  }
0x47: {  	_ =	shalt  }
0x48: {  	_ =	shalt  }
0x49: {  	_ =	shalt  }
0x4a: {  	_ =	shalt  }
0x4b: {  	_ =	shalt  }
0x4c: {  	_ =	shalt  }
0x4d: {  	_ =	shalt  }
0x4e: {  	_ =	shalt  }
0x4f: {  	_ =	shalt  }
0x50: {  	_ =	shalt  }
0x51: {  	_ =	shalt  }
0x52: {  	_ =	shalt  }
0x53: {  	_ =	shalt  }
0x54: {  	_ =	shalt  }
0x55: {  	_ =	shalt  }
0x56: {  	_ =	shalt  }
0x57: {  	_ =	shalt  }
0x58: {  	_ =	shalt  }
0x59: {  	_ =	shalt  }
0x5a: {  	_ =	shalt  }
0x5b: {  	_ =	shalt  }
0x5c: {  	_ =	shalt  }
0x5d: {  	_ =	shalt  }
0x5e: {  	_ =	shalt  }
0x5f: {  	_ =	shalt  }
0x60: {  	_ =	shalt  }
0x61: {  	_ =	shalt  }
0x62: {  	_ =	shalt  }
0x63: {  	_ =	shalt  }
0x64: {  	_ =	shalt  }
0x65: {  	_ =	shalt  }
0x66: {  	_ =	shalt  }
0x67: {  	_ =	shalt  }
0x68: {  	_ =	shalt  }
0x69: {  	_ =	shalt  }
0x6a: {  	_ =	shalt  }
0x6b: {  	_ =	shalt  }
0x6c: {  	_ =	shalt  }
0x6d: {  	_ =	shalt  }
0x6e: {  	_ =	shalt  }
0x6f: {  	_ =	shalt  }
0x70: {  	_ =	shalt  }
0x71: {  	_ =	shalt  }
0x72: {  	_ =	shalt  }
0x73: {  	_ =	shalt  }
0x74: {  	_ =	shalt  }
0x75: {  	_ =	shalt  }
0x76: {  	_ =	shalt  }
0x77: {  	_ =	shalt  }
0x78: {  	_ =	shalt  }
0x79: {  	_ =	shalt  }
0x7a: {  	_ =	shalt  }
0x7b: {  	_ =	shalt  }
0x7c: {  	_ =	shalt  }
0x7d: {  	_ =	shalt  }
0x7e: {  	_ =	shalt  }
0x7f: {  	_ =	shalt  }
0x80: {  	_ =	shalt  }
0x81: {  	_ =	shalt  }
0x82: {  	_ =	shalt  }
0x83: {  	_ =	shalt  }
0x84: {  	_ =	shalt  }
0x85: {  	_ =	shalt  }
0x86: {  	_ =	shalt  }
0x87: {  	_ =	shalt  }
.Lfunc_end0:
.L_simem_size_0:
called_computation.3_lowered:
.L_overlay_start_0:
0x88: {  	s2 =	sld [smem:$0x3FD9]  }
0x89: {  	s3 =	sld [smem:$0x3FFE];
	_ =	sdelay $0x1  }
0x8a: {  	s1 =	srdreg.scid  }
0x8b: {  	s0 =	sand.u32 $0x1, s1  }
0x8c: {  	s16 =	sshll.u32 s0, $0xA;
	s2 =	sadd.s32 s3, s2  }
0x8d: {  	s2 =	sadd.s32 s2, s16  }
0x8e: {  	[smem:$0x3FBC] =	sst s2  }
0x8f: {  	_ = 	snop  }
0x90: {  	(tm) =	ssettm $0x1  }
0x91: {  	s17 =	sld [smem:$0x3FFB];
	_ =	sdelay $0x3  }
0x92: {  	_ =	strace s17  }
0x93: {  	s2 =	sld [smem:$0x3FFC];
	_ =	sdelay $0x3  }
0x94: {  	_ =	strace s2  }
0x95: {  	s2 =	sld [smem:$0x3FFD];
	_ =	sdelay $0x3  }
0x96: {  	_ =	strace s2  }
0x97: {  	_ =	strace $0x8FFFFFFF  }
0x98: {  	s18 =	sld [smem:$0x3FDB];
	_ =	sdelay $0x1  }
0x99: {  	s19 =	simm.s32 $_scs_section_size  }
0x9a: {  	s4 =	simm.s32 $_size__tile_overlayer_lowered;
	s5 =	simm.s32 $_tile_overlayer_lowered  }
0x9b: {  	s22 =	simm.s32 $0x1BFF;
	s21 =	sshll.u32 s5, $0x1;
	s2 =	sadd.s32 s19, s18  }
0x9c: {  	s6 =	simm.s32 $0x0;
	s20 =	sshll.u32 s4, $0x1;
	s4 =	sadd.s32 s21, s2  }
0x9d: {  	[timem:s6], [sflag:s22] =	dma.local [hbm:s4], s20  }
0x9e: {  	_ =	swait.ge [sflag:s22], s20  }
0x9f: {  	s3 =	ssub.s32 $0x0, s20;
	[sflag:s22] =	ssyncset.done $0x0  }
0xa0: {  	[sflag:s22] =	ssyncadd.s32 s3;
	_ =	sdelay $0x1  }
0xa1: {  	s23 =	simm.s32 $0x1B8B  }
0xa2: {  	_ =	swait.ge [sflag:s23], $0x1  }
0xa3: {  	[sflag:s23] =	ssyncset.done $0x0  }
0xa4: {  	s25 =	simm.s32 $0x1B8E;
	s24 =	sld [smem:$0x3FFE];
	[sflag:s23] =	ssyncadd.s32 $0xFFFFFFFF  }
0xa5: {  	s26 =	simm.s32 $execute0_lowered;
	[smem:$0x3FD2] =	sst s25  }
0xa6: {  	s4 =	sshll.u32 s26, $0x1;
	_ =	strace $0x8000004F;
	[dreg:$0x1] =	wrdreg $0xFFFFFFFF  }
0xa7: {  	s28 =	simm.s32 $_size_execute0_lowered;
	s2 =	sadd.s32 s2, s4;
	[dreg:$0x0] =	wrdreg $0x0  }
0xa8: {  	s4 =	sshll.u32 s28, $0x1;
	[dreg:$0x2] =	wrdreg s2  }
0xa9: {  	[dreg:$0x3] =	wrdreg s4  }
0xaa: {  	[dreg:$0x4] =	wrdreg $0xC0  }
0xab: {  	_ =	task [dreg:s6], $0x5FFFF  }
0xac: {  	[dreg:$0x1] =	wrdreg $0xFFFFFFFF  }
0xad: {  	[dreg:$0x0] =	wrdreg $0x60  }
0xae: {  	[dreg:$0x2] =	wrdreg s24  }
0xaf: {  	[dreg:$0x3] =	wrdreg $0x29000  }
0xb0: {  	[dreg:$0x4] =	wrdreg $0x9  }
0xb1: {  	_ =	task.clear_ibuf [dreg:s6], $0x5FFFF;
	_ =	strace $0x9000004F  }
0xb2: {  	s29 =	simm.s32 $0x9;
	_ =	strace $0x80000051  }
0xb3: {  	_ =	swait.ge [sflag:s29], $0x1  }
0xb4: {  	[sflag:s29] =	ssyncadd.s32 $0xFFFFFFFF  }
0xb5: {  	_ =	strace $0x90000051  }
0xb6: {  	_ =	sfence  }
0xb7: {  	s30 =	sld [smem:$0x0];
	_ =	sdelay $0x2  }
0xb8: {  	s31 =	sshll.u32 s1, $0xD;
	s1 =	sshrl.u32 s1, $0x2  }
0xb9: {  	s3 =	sand.u32 $0x4000, s31;
	s1 =	sadd.s32 s1, s30  }
0xba: {  	s0 =	sor.u32 s3, s0;
	s1 =	sshll.u32 s1, $0x11  }
0xbb: {  	s0 =	sor.u32 s1, s0  }
0xbc: {  	s0 =	sadd.s32 $0x8F2B, s0  }
0xbd: {  	[sflag:s0] =	ssyncadd.remote.s32 $0x1  }
0xbe: {  	_ =	sfence.sel $0xFFFF  }
0xbf: {  	[dreg:$0x0] =	wrdreg $0xFFFFFFFF;
	(pc) =	sbr.abs _section_cstart, $3  }
0xc0: {  	[dreg:$0x1] =	wrdreg $0xFFFFFFFF  }
0xc1: {  	_ =	task.clear_ibuf [dreg:s6], $0x2FFFF;
	_ =	strace $0x9FFFFFFF  }
0xc2: {  	(tm) =	ssettm $0x7FFFFFFF  }
0xc3: {  	_ =	shalt  }
tec
execute0_lowered:
.L_overlay_start_1:
0x0: {  	(tag) =	ssettag $0x1  }
0x1: {  	s7 =	rddreg [dreg:$0x0]  }
0x2: {  	s2 =	rddreg [dreg:$0x1]  }
0x3: {  	s0 =	srdreg.scid;
	s1 =	rddreg [dreg:$0x2];
	s3 =	simm.s32 $0x0  }
0x4: {  	s18 =	simm.s32 $0x1;
	s19 =	simm.s32 $0x80;
	s20 =	simm.s32 $0x50  }
0x5: {  	s21 =	simm.s32 $0x100;
	s24 =	simm.s32 $0x1FC1;
	s10 =	sand.u32 $0x1, s0  }
0x6: {  	s25 =	simm.s32 $0x0;
	s0 =	stileid.u32;
	s4 =	smul.u32 $0x27100, s10  }
0x7: {  	[smem:$0x7FF] =	sst s3;
	s6 =	sadd.s32 $0x69600, s7;
	s5 =	smul.u32 $0x2710, s0  }
0x8: {  	_ =	strace $0x80000050;
	s8 =	ssub.s32 $0x2, s10;
	s11 =	smul.u32 $0x4E000, s0  }
0x9: {  	p0 =	seq.s32 s0, $0xF;
	p3 =	sne.s32 s0, $0xF;
	p4 =	seq.s32 s10, $0x0  }
0xa: {  	s31 =	smul.u32 $0x2700, s0;
	p1 =	seq.s32 s10, $0x1;
	s9 =	sshrl.u32 s8, $0x1  }
0xb: {  	p2 =	por !p4, !p3;
	p4 =	por !p4, !p0;
	p5 =	por !p3, !p1  }
0xc: {  	s16 =	sshll.u32 @!p0 s0, $0x6;
	s4 =	sadd.s32 s5, s4;
	s12 =	ssub.s32 s8, s9  }
0xd: {  	s30 =	sshrl.u32 s11, $0x2;
	s8 =	sadd.s32 $0x124800, s2;
	p2 =	por !p2, !p2  }
0xe: {  	s10 =	sadd.s32 s6, s31;
	p3 =	por !p4, !p4;
	p6 =	por !p5, !p5  }
0xf: {  	s16 =	sor.u32 @!p0 $0x1C01, s16;
	s5 =	sshrl.u32 s4, $0x3;
	s4 =	sadd.s32 $0x18A00, s7  }
.Ltmp0:
0x10: {  	s9 =	sadd.s32 s30, s2;
	s12 =	smax.u32 s12, $0x1;
	(pc) =	sbr.rel .LBB2_1-.Ltmp0, $4  }
0x11: {  	s15 =	sshrl.u32 @p0 s8, $0x3;
	s22 =	sshll.u32 @p2 s0, $0x6;
	p4 =	por !p6, p3  }
0x12: {  	s14 =	sadd.s32 s5, s7;
	s5 =	sadd.s32 $0x66E00, s7;
	s7 =	sadd.s32 $0x90800, s7  }
0x13: {  	s17 =	sshrl.u32 @!p0 s9, $0x3;
	s22 =	sor.u32 @p2 $0x1C01, s22;
	s23 =	sshrl.u32 @p2 s9, $0x3  }
0x14: {  	s11 =	sadd.s32 s7, s31;
	s13 =	sadd.s32 $0xEC00, s14;
	s14 =	sadd.s32 $0x4E00, s14  }
.LBB2_5:
0x15: {  	s25 =	sadd.s32 $0x1, s25  }
0x16: {  	p5 =	sne.s32 s25, s12  }
.Ltmp1:
0x17: {  	_ = 	snop;
	(pc) =	sbr.rel @!p5 .LBB2_6-.Ltmp1, $1  }
0x18: {  	_ =	sdelay $0x3  }
.LBB2_1:
0x19: {  	s26 =	simm.s32 @p0 $0x1FC1  }
0x1a: {  	[spmem:s15], [sflag:s26] =	dma.local @p0 [hbm:s5], $0x2800  }
0x1b: {  	s26 =	simm.s32 @p0 $0x1  }
0x1c: {  	_ =	swait.ge @p0 [sflag:s26], $0x2800  }
0x1d: {  	[sflag:s26] =	ssyncset.done @p0 $0x0  }
0x1e: {  	[sflag:s26] =	ssyncadd.s32 @p0 $0xFFFFD800;
	s26 =	simm.s32 @!p0 $0x1  }
0x1f: {  	[spmem:s17], [sflag:s16] =	dma.local @!p0 [hbm:s5], $0x2700  }
0x20: {  	_ =	swait.ge @!p0 [sflag:s26], $0x2700  }
0x21: {  	[sflag:s26] =	ssyncset.done @!p0 $0x0  }
0x22: {  	[sflag:s26] =	ssyncadd.s32 @!p0 $0xFFFFD900  }
0x23: {  	s30 =	sadd.s32 $0x0, s14;
	[bflag:$0x0] =	sbarrier.arrive $0xFFFF  }
0x24: {  	[tilespmem:s3], [sflag:$0x1] =	stream.linear.gather [hbm4b:s30+s3], $0x50, $0x38;
	[tilespmem:$0x16180] =	vst v63  }
0x25: {  	_ =	swait.ge [sflag:s18], $0x50  }
0x26: {  	[sflag:s18] =	ssyncset.done $0x0  }
0x27: {  	s31 =	sadd.s32 $0x0, s13;
	[sflag:s18] =	ssyncadd.s32 $0xFFFFFFB0  }
0x28: {  	[tilespmem:s19], [sflag:$0x1] =	stream.linear.gather [hbm4b:s31+s3], $0x50, $0x38;
	[tilespmem:$0x16180] =	vst v63  }
0x29: {  	_ =	swait.ge [sflag:s18], $0x50  }
0x2a: {  	[sflag:s18] =	ssyncset.done $0x0  }
0x2b: {  	[sflag:s18] =	ssyncadd.s32 $0xFFFFFFB0  }
0x2c: {  	[tilespmem:s21], [sflag:$0x1] =	stream.indirect.gather [hbm4b:s4+s20], $0x80, s3, s20, $0xb8;
	[tilespmem:$0x16180] =	vst v63  }
0x2d: {  	_ =	swait.ge [sflag:s18], $0x2800  }
0x2e: {  	[sflag:s18] =	ssyncset.done $0x0  }
0x2f: {  	[sflag:s18] =	ssyncadd.s32 $0xFFFFD800  }
0x30: {  	[spmem:s2] =	stream.indirect.scatter.add.f32 [tilespmem:s21], [sflag:$0x1], $0x80, s19, s20, $0xb8;
	[tilespmem:$0x16180] =	vst v63  }
0x31: {  	_ =	swait.ge [sflag:s18], $0x2800  }
0x32: {  	s28 =	simm.s32 $0x14;
	s26 =	simm.s32 $0xA;
	[sflag:s18] =	ssyncset.done $0x0  }
.LBB2_2:
0x33: {  	s29 =	sadd.s32 s26, s14  }
0x34: {  	[sflag:s18] =	ssyncadd.s32 $0xFFFFD800;
	s30 =	smov.u32 s28;
	s31 =	sadd.s32 $0xA, s28  }
0x35: {  	[tilespmem:s3], [sflag:$0x1] =	stream.linear.gather [hbm4b:s29+s3], $0x50, $0x38;
	[tilespmem:$0x16180] =	vst v63  }
0x36: {  	p5 =	sne.s32 s28, $0x4D8;
	_ =	swait.ge [sflag:s18], $0x50  }
0x37: {  	[sflag:s18] =	ssyncset.done $0x0  }
0x38: {  	s28 =	sadd.s32 s26, s13;
	s26 =	smov.u32 s30;
	[sflag:s18] =	ssyncadd.s32 $0xFFFFFFB0  }
0x39: {  	[tilespmem:s19], [sflag:$0x1] =	stream.linear.gather [hbm4b:s28+s3], $0x50, $0x38;
	[tilespmem:$0x16180] =	vst v63  }
0x3a: {  	_ =	swait.ge [sflag:s18], $0x50  }
0x3b: {  	[sflag:s18] =	ssyncset.done $0x0  }
0x3c: {  	[sflag:s18] =	ssyncadd.s32 $0xFFFFFFB0  }
0x3d: {  	[tilespmem:s21], [sflag:$0x1] =	stream.indirect.gather [hbm4b:s4+s20], $0x80, s3, s20, $0xb8;
	[tilespmem:$0x16180] =	vst v63  }
0x3e: {  	_ =	swait.ge [sflag:s18], $0x2800  }
.Ltmp2:
0x3f: {  	[sflag:s18] =	ssyncset.done $0x0;
	(pc) =	sbr.rel @p5 .LBB2_2-.Ltmp2, $4  }
0x40: {  	[sflag:s18] =	ssyncadd.s32 $0xFFFFD800  }
0x41: {  	[spmem:s2] =	stream.indirect.scatter.add.f32 [tilespmem:s21], [sflag:$0x1], $0x80, s19, s20, $0xb8;
	[tilespmem:$0x16180] =	vst v63  }
0x42: {  	_ =	swait.ge [sflag:s18], $0x2800  }
0x43: {  	s28 =	smov.u32 s31;
	[sflag:s18] =	ssyncset.done $0x0  }
0x44: {  	s28 =	sadd.s32 s26, s14;
	[sflag:s18] =	ssyncadd.s32 $0xFFFFD800  }
0x45: {  	[tilespmem:s3], [sflag:$0x1] =	stream.linear.gather [hbm4b:s28+s3], $0x50, $0x38;
	[tilespmem:$0x16180] =	vst v63  }
0x46: {  	_ =	swait.ge [sflag:s18], $0x50  }
0x47: {  	[sflag:s18] =	ssyncset.done $0x0  }
0x48: {  	s31 =	sadd.s32 s26, s13;
	[sflag:s18] =	ssyncadd.s32 $0xFFFFFFB0  }
0x49: {  	[tilespmem:s19], [sflag:$0x1] =	stream.linear.gather [hbm4b:s31+s3], $0x50, $0x38;
	[tilespmem:$0x16180] =	vst v63  }
0x4a: {  	_ =	swait.ge [sflag:s18], $0x50  }
0x4b: {  	[sflag:s18] =	ssyncset.done $0x0  }
0x4c: {  	[sflag:s18] =	ssyncadd.s32 $0xFFFFFFB0  }
0x4d: {  	[tilespmem:s21], [sflag:$0x1] =	stream.indirect.gather [hbm4b:s4+s20], $0x80, s3, s20, $0xb8;
	[tilespmem:$0x16180] =	vst v63  }
0x4e: {  	_ =	swait.ge [sflag:s18], $0x2800  }
0x4f: {  	[sflag:s18] =	ssyncset.done $0x0  }
0x50: {  	[sflag:s18] =	ssyncadd.s32 $0xFFFFD800  }
0x51: {  	[spmem:s2] =	stream.indirect.scatter.add.f32 [tilespmem:s21], [sflag:$0x1], $0x80, s19, s20, $0xb8;
	[tilespmem:$0x16180] =	vst v63  }
0x52: {  	_ =	swait.ge [sflag:s18], $0x2800  }
0x53: {  	p5 =	por @!p4 $0x1, $0x1;
	p6 =	por p1, p1;
	[sflag:s18] =	ssyncset.done $0x0  }
0x54: {  	p6 =	por @!p4 p5, p5;
	[sflag:s18] =	ssyncadd.s32 $0xFFFFD800  }
0x55: {  	s26 =	simm.s32 @p2 $0x1;
	p5 =	por @!p3 !p6, !p0;
	[bflag:$0x0] =	sbarrier.arrive $0xFFFF  }
0x56: {  	[hbm:s10], [sflag:s22] =	dma.local @p2 [spmem:s23], $0x2700  }
0x57: {  	p5 =	por @!p3 !p5, !p5;
	_ =	swait.ge @p2 [sflag:s26], $0x2700  }
0x58: {  	s28 =	sshll.u32 @!p4 s0, $0x6;
	p5 =	por p3, p5;
	[sflag:s26] =	ssyncset.done @p2 $0x0  }
0x59: {  	[sflag:s26] =	ssyncadd.s32 @p2 $0xFFFFD900;
	s26 =	sor.u32 @!p4 $0x1C01, s28;
	s28 =	sshrl.u32 @!p4 s9, $0x3  }
0x5a: {  	[hbm:s11], [sflag:s26] =	dma.local @!p4 [spmem:s28], $0x2700  }
.Ltmp3:
0x5b: {  	_ = 	snop;
	(pc) =	sbr.rel @!p5 .LBB2_5-.Ltmp3, $4  }
0x5c: {  	s26 =	simm.s32 @!p4 $0x1  }
0x5d: {  	_ =	swait.ge @!p4 [sflag:s26], $0x2700  }
0x5e: {  	[sflag:s26] =	ssyncset.done @!p4 $0x0  }
0x5f: {  	[sflag:s26] =	ssyncadd.s32 @!p4 $0xFFFFD900  }
0x60: {  	s26 =	smov.u32 s7  }
0x61: {  	s26 =	smov.u32 @p3 s6  }
.Ltmp4:
0x62: {  	s28 =	sshrl.u32 s8, $0x3;
	s26 =	sadd.s32 $0x24900, s26;
	(pc) =	sbr.rel .LBB2_5-.Ltmp4, $4  }
0x63: {  	[hbm:s26], [sflag:s24] =	dma.local [spmem:s28], $0x2800  }
0x64: {  	_ =	swait.ge [sflag:s18], $0x2800  }
0x65: {  	[sflag:s18] =	ssyncset.done $0x0  }
0x66: {  	[sflag:s18] =	ssyncadd.s32 $0xFFFFD800  }
.LBB2_6:
0x67: {  	_ =	sfence.sel $0x180000  }
0x68: {  	[bflag:$0x0] =	sbarrier.arrive $0xFFFF  }
0x69: {  	p0 =	sne.s32 s0, $0x0;
	_ =	strace $0x90000050  }
0x6a: {  	s0 =	sadd.s32 @!p0 $0x100000, s1;
	[bflag:$0x2] =	sbarrier.arrive $0xFFFF  }
0x6b: {  	[sflag:s0] =	ssyncadd.tile.s32 @!p0 $0x1;
	_ =	shalt  }
.Lfunc_end2:
_tile_overlayer_lowered:
.L_overlay_start_2:
0x6c: {  	(tag) =	ssettag $0x2  }
0x6d: {  	s0 =	rddreg [dreg:$0x0];
	s2 =	stileid.u32  }
0x6e: {  	s1 =	rddreg [dreg:$0x1];
	p0 =	sne.s32 s2, $0x0  }
0x6f: {  	s3 =	rddreg [dreg:$0x2];
	[bflag:$0x3] =	sbarrier.arrive $0xFFFF;
	s2 =	simm.s32 @!p0 $0x1C01  }
0x70: {  	[timem:s3], [sflag:s2] =	dma.local @!p0 [hbm:s0], s1  }
0x71: {  	s0 =	simm.s32 @!p0 $0x1  }
0x72: {  	_ =	swait.ge @!p0 [sflag:s0], s1  }
0x73: {  	s1 =	ssub.s32 @!p0 $0x0, s1;
	[sflag:s0] =	ssyncset.done @!p0 $0x0  }
0x74: {  	[sflag:s0] =	ssyncadd.s32 @!p0 s1  }
0x75: {  	[bflag:$0x3] =	sbarrier.arrive $0xFFFF  }
0x76: {  	_ =	shalt  }

</sc_bundles>
